<compile_context>
chip_gen: v7x
topology: tpu7x:2x2x1
jax: 0.10.2.dev20260603
libtpu: 0.0.44.dev20260713+nightly
codegen_flags: <defaults>
</compile_context>

<pallas_src>
import functools

import jax
import jax.numpy as jnp
from jax import lax
from jax.experimental import pallas as pl
from jax.experimental.pallas import tpu as pltpu
from jax.experimental.pallas import tpu_sc as plsc

N_NODES = 10000
D = 128
NC = 2
NS = 16
NW = NC * NS
CH = 128
NPAD = 10240
RPT = NPAD // NS
NBUF = 2

_mesh = plsc.VectorSubcoreMesh(core_axis_name="c", subcore_axis_name="s")


def _deg_body(row_hbm, zeros1_hbm, deg_hbm, row_v, ones_v, acc, dsem):
    c = lax.axis_index("c")
    s = lax.axis_index("s")
    w = c * NS + s
    k = row_hbm.shape[1]
    rs = pl.ds(s * RPT, RPT)
    pltpu.sync_copy(zeros1_hbm.at[rs], acc.at[rs])
    for i in range(CH // 16):
        ones_v[pl.ds(i * 16, 16)] = jnp.ones((16,), jnp.float32)
    pltpu.sync_copy(row_hbm.at[w], row_v)
    plsc.subcore_barrier()

    def fire(j, carry):
        pltpu.async_copy(ones_v, acc.at[row_v.at[j]], dsem, add=True)
        return carry

    lax.fori_loop(0, k, fire, 0)

    def drain(j, carry):
        pltpu.make_async_copy(ones_v, acc.at[row_v.at[0]], dsem).wait()
        return carry

    lax.fori_loop(0, k, drain, 0)
    plsc.subcore_barrier()
    pltpu.sync_copy(acc.at[rs], deg_hbm.at[w])


def _agg_body(z_hbm, col_hbm, row_hbm, zeros2_hbm, s_hbm,
              cw0, cw1, rw0, rw1, gb0, gb1, acc,
              is0, is1, gs0, gs1, ss0, ss1, nsem):
    colw = [cw0, cw1]
    roww = [rw0, rw1]
    gbuf = [gb0, gb1]
    isem = [is0, is1]
    gsem = [gs0, gs1]
    ssem = [ss0, ss1]
    c = lax.axis_index("c")
    s = lax.axis_index("s")
    w = c * NS + s
    k = col_hbm.shape[1]
    ngroups = k // NBUF
    rs = pl.ds(s * RPT, RPT)

    @pl.when(c == 0)
    def _():
        pltpu.async_copy(z_hbm.at[rs], acc.at[rs], nsem)

    @pl.when(c == 1)
    def _():
        pltpu.async_copy(zeros2_hbm.at[rs], acc.at[rs], nsem)

    def load_idx(g, p, sem_slot):
        gs_ = pl.ds(g * NBUF, NBUF)
        pltpu.async_copy(col_hbm.at[w, gs_], colw[p], isem[sem_slot])
        pltpu.async_copy(row_hbm.at[w, gs_], roww[p], isem[sem_slot])

    def wait_idx(p, sem_slot):
        pltpu.make_async_copy(col_hbm.at[w, pl.ds(0, NBUF)], colw[p],
                              isem[sem_slot]).wait()
        pltpu.make_async_copy(row_hbm.at[w, pl.ds(0, NBUF)], roww[p],
                              isem[sem_slot]).wait()

    load_idx(0, 0, 0)
    wait_idx(0, 0)
    for b in range(NBUF):
        pltpu.async_copy(z_hbm.at[colw[0].at[b]], gbuf[b], gsem[b])
    load_idx(1, 1, 1)
    pltpu.make_async_copy(z_hbm.at[rs], acc.at[rs], nsem).wait()
    plsc.subcore_barrier()

    def run_group(g, p):
        pp = 1 - p
        for b in range(NBUF):
            pltpu.make_async_copy(
                z_hbm.at[colw[p].at[b]], gbuf[b], gsem[b]).wait()
            pltpu.async_copy(gbuf[b], acc.at[roww[p].at[b]], ssem[b],
                             add=True)
            pltpu.make_async_copy(
                gbuf[b], acc.at[roww[p].at[b]], ssem[b]).wait()

            if b == 0:
                @pl.when(g + 1 < ngroups)
                def _():
                    wait_idx(pp, pp)

            @pl.when(g + 1 < ngroups)
            def _():
                pltpu.async_copy(z_hbm.at[colw[pp].at[b]], gbuf[b], gsem[b])

        @pl.when(g + 2 < ngroups)
        def _():
            load_idx(g + 2, p, p)

    def pair(t, carry):
        run_group(2 * t, 0)
        run_group(2 * t + 1, 1)
        return carry

    lax.fori_loop(0, ngroups // 2, pair, 0)
    plsc.subcore_barrier()
    pltpu.sync_copy(acc.at[rs], s_hbm.at[w])


def _proj_body(x_ref, w_ref, dt_ref, z_ref):
    n = x_ref.shape[0]
    d = dt_ref[0:n]
    dis = lax.rsqrt(d[:, 0:1] + d[:, 1:2] + 1.0)
    z_ref[0:n] = dis * jnp.dot(x_ref[...], w_ref[...],
                               preferred_element_type=jnp.float32)
    z_ref[n:] = jnp.zeros((NPAD - n, D), jnp.float32)


def _final_body(s_ref, dt_ref, o_ref):
    n = o_ref.shape[0]
    d = dt_ref[...]
    dis = lax.rsqrt(d[:, 0:1] + d[:, 1:2] + 1.0)
    sp = s_ref[...].reshape(NC, NPAD, D)
    o_ref[...] = dis * (sp[0, :n] + sp[1, :n])


def kernel(x, edge_index, weight):
    n, d_in = x.shape
    e = edge_index.shape[1]
    k = -(-e // (NW * CH))
    k = -(-k // (2 * NBUF)) * (2 * NBUF)
    ep = NW * k * CH

    row = edge_index[0].astype(jnp.int32)
    col = edge_index[1].astype(jnp.int32)
    pad = (n + (jnp.arange(ep - e, dtype=jnp.int32) % (NPAD - n)))
    row3d = jnp.concatenate([row, pad]).reshape(NW, k, CH)
    col3d = jnp.concatenate([col, pad]).reshape(NW, k, CH)

    zeros1 = jnp.zeros((NPAD,), jnp.float32)
    zeros2 = jnp.zeros((NPAD, D), jnp.float32)

    deg_kernel = functools.partial(
        pl.kernel, mesh=_mesh,
        out_type=jax.ShapeDtypeStruct((NW, RPT), jnp.float32),
        scratch_types=[
            pltpu.VMEM((k, CH), jnp.int32),
            pltpu.VMEM((CH,), jnp.float32),
            pltpu.VMEM_SHARED((NPAD,), jnp.float32),
            pltpu.SemaphoreType.DMA,
        ])(_deg_body)
    deg_parts = deg_kernel(row3d, zeros1)
    deg_t = deg_parts.reshape(NC, NPAD).T

    z_pad = pl.pallas_call(
        _proj_body,
        out_shape=jax.ShapeDtypeStruct((NPAD, D), jnp.float32),
    )(x, weight, deg_t)

    agg_kernel = functools.partial(
        pl.kernel, mesh=_mesh,
        out_type=jax.ShapeDtypeStruct((NW, RPT, D), jnp.float32),
        scratch_types=(
            [pltpu.VMEM((NBUF, CH), jnp.int32)] * 4
            + [pltpu.VMEM((CH, D), jnp.float32)] * NBUF
            + [pltpu.VMEM_SHARED((NPAD, D), jnp.float32)]
            + [pltpu.SemaphoreType.DMA] * 7
        ))(_agg_body)
    s_parts = agg_kernel(z_pad, col3d, row3d, zeros2)

    out = pl.pallas_call(
        _final_body,
        out_shape=jax.ShapeDtypeStruct((n, D), jnp.float32),
    )(s_parts, deg_t[:n])
    return out

# --- scband reference (transcript-rebuilt; emitter-appended) ---
"""Pipeline reference for scband-gcnlayer-2078764171903 (READ-ONLY COPY).

The authoritative reference and input builder live on the scoring server;
editing this copy changes nothing except your own understanding.
"""

import jax, jax.numpy as jnp
import numpy as np

N_NODES = 10000
N_EDGES = 320000
D_IN = 128
D_OUT = 128


def setup_inputs(seed: int = 0) -> dict:
    key = jax.random.key(seed)
    k1, k2, k3 = jax.random.split(key, 3)
    x = jax.random.normal(k1, (N_NODES, D_IN), dtype=jnp.float32)
    edge_index = jax.random.randint(k2, (2, N_EDGES), 0, N_NODES)
    weight = jax.random.normal(k3, (D_IN, D_OUT), dtype=jnp.float32)
    return {"x": x, "edge_index": edge_index, "weight": weight}


def reference(x, edge_index, weight):
    num_nodes = x.shape[0]
    # add self loops
    loop = jnp.arange(num_nodes, dtype=edge_index.dtype)
    row = jnp.concatenate([edge_index[0], loop])
    col = jnp.concatenate([edge_index[1], loop])
    # degree via scatter-add of ones
    deg = jnp.zeros((num_nodes,), dtype=jnp.float32).at[row].add(1.0)
    deg_inv_sqrt = deg ** -0.5
    deg_inv_sqrt = jnp.where(jnp.isinf(deg_inv_sqrt), 0.0, deg_inv_sqrt)
    norm = deg_inv_sqrt[row] * deg_inv_sqrt[col]
    # sparse mm: out[row] += norm * x[col]  (gather + scatter-add)
    gathered = norm[:, None] * jnp.take(x, col, axis=0)
    out = jnp.zeros((num_nodes, x.shape[1]), dtype=x.dtype).at[row].add(gathered)
    # dense projection
    out = out @ weight
    return out

if __name__ == "__main__":
    import jax
    _d = setup_inputs()
    print(jax.jit(kernel)(*tuple(_d.values())))

</pallas_src>

<mosaic_0001>
#map = affine_map<(d0, d1) -> (0, 0, 0)>
#map1 = affine_map<(d0, d1) -> (0)>
#map2 = affine_map<(d0, d1) -> (0, 0)>
module attributes {stable_mosaic.version = 14 : i64} {
  func.func @_deg_body(%arg0: i32, %arg1: i32, %arg2: memref<32x80x128xi32, #tpu.memory_space<hbm>>, %arg3: memref<10240xf32, #tpu.memory_space<hbm>>, %arg4: memref<32x640xf32, #tpu.memory_space<hbm>>, %arg5: memref<80x128xi32, #tpu.memory_space<vmem>>, %arg6: memref<128xf32, #tpu.memory_space<vmem>>, %arg7: memref<10240xf32, #tpu.memory_space<vmem_shared>>, %arg8: memref<!tpu.dma_semaphore, #tpu.memory_space<semaphore_mem>>) attributes {dimension_semantics = [#tpu.dimension_semantics<core_parallel>, #tpu.dimension_semantics<subcore_parallel>], iteration_bounds = array<i64: 2, 16>, scalar_prefetch = 0 : i64, scratch_operands = 4 : i64, tpu.core_type = #tpu.core_type<sc_vector_subcore>, window_params = [{transform_indices = #map}, {transform_indices = #map1}, {transform_indices = #map2}]} {
    %mul3A = arith.constant 16 : i32
    %mul3A_0 = arith.muli %arg0, %mul3A : i32
    %add3A = arith.addi %mul3A_0, %arg1 : i32
    %mul3A_1 = arith.constant 640 : i32
    %mul3A_2 = arith.muli %arg1, %mul3A_1 : i32
    "tpu.region"() ({
      %run_scoped3A = tpu.sem_alloc : memref<!tpu.dma_semaphore, #tpu.memory_space<semaphore_mem>>
      %dma_start3A = tpu.memref_slice %arg7[%mul3A_2] : memref<10240xf32, #tpu.memory_space<vmem_shared>> -> memref<640xf32, #tpu.memory_space<vmem_shared>>
      %dma_start3A_61 = tpu.memref_slice %arg3[%mul3A_2] : memref<10240xf32, #tpu.memory_space<hbm>> -> memref<640xf32, #tpu.memory_space<hbm>>
      tpu.enqueue_dma source(%dma_start3A_61 : memref<640xf32, #tpu.memory_space<hbm>>) target(%dma_start3A : memref<640xf32, #tpu.memory_space<vmem_shared>>) target_semaphore(%run_scoped3A : memref<!tpu.dma_semaphore, #tpu.memory_space<semaphore_mem>>)
      %dma_wait3A = tpu.memref_slice %arg7[%mul3A_2] : memref<10240xf32, #tpu.memory_space<vmem_shared>> -> memref<640xf32, #tpu.memory_space<vmem_shared>>
      %dma_wait3A_62 = tpu.memref_slice %arg3[%mul3A_2] : memref<10240xf32, #tpu.memory_space<hbm>> -> memref<640xf32, #tpu.memory_space<hbm>>
      tpu.wait_dma2 semaphore(%run_scoped3A : memref<!tpu.dma_semaphore, #tpu.memory_space<semaphore_mem>>) src(%dma_wait3A_62 : memref<640xf32, #tpu.memory_space<hbm>>) dst(%dma_wait3A : memref<640xf32, #tpu.memory_space<vmem_shared>>)
      tpu.yield
    }) : () -> ()
    %broadcast_in_dim3A = arith.constant 1.000000e+00 : f32
    %broadcast_in_dim3A_3 = vector.broadcast %broadcast_in_dim3A : f32 to vector<16xf32>
    %swap3A = arith.constant 0 : index
    %swap3A_4 = tpu.vector_load %arg6[%swap3A] {strides = array<i32>} : memref<128xf32, #tpu.memory_space<vmem>>, vector<16xf32>,
    %swap3A_5 = vector.shape_cast %swap3A_4 : vector<16xf32> to vector<16xf32>
    %swap3A_6 = vector.shape_cast %broadcast_in_dim3A_3 : vector<16xf32> to vector<16xf32>
    tpu.vector_store %arg6[%swap3A], %swap3A_6 {strides = array<i32>} : memref<128xf32, #tpu.memory_space<vmem>>, vector<16xf32>,
    %broadcast_in_dim3A_7 = arith.constant 1.000000e+00 : f32
    %broadcast_in_dim3A_8 = vector.broadcast %broadcast_in_dim3A_7 : f32 to vector<16xf32>
    %swap3A_9 = arith.constant 16 : index
    %swap3A_10 = tpu.vector_load %arg6[%swap3A_9] {strides = array<i32>} : memref<128xf32, #tpu.memory_space<vmem>>, vector<16xf32>,
    %swap3A_11 = vector.shape_cast %swap3A_10 : vector<16xf32> to vector<16xf32>
    %swap3A_12 = vector.shape_cast %broadcast_in_dim3A_8 : vector<16xf32> to vector<16xf32>
    tpu.vector_store %arg6[%swap3A_9], %swap3A_12 {strides = array<i32>} : memref<128xf32, #tpu.memory_space<vmem>>, vector<16xf32>,
    %broadcast_in_dim3A_13 = arith.constant 1.000000e+00 : f32
    %broadcast_in_dim3A_14 = vector.broadcast %broadcast_in_dim3A_13 : f32 to vector<16xf32>
    %swap3A_15 = arith.constant 32 : index
    %swap3A_16 = tpu.vector_load %arg6[%swap3A_15] {strides = array<i32>} : memref<128xf32, #tpu.memory_space<vmem>>, vector<16xf32>,
    %swap3A_17 = vector.shape_cast %swap3A_16 : vector<16xf32> to vector<16xf32>
    %swap3A_18 = vector.shape_cast %broadcast_in_dim3A_14 : vector<16xf32> to vector<16xf32>
    tpu.vector_store %arg6[%swap3A_15], %swap3A_18 {strides = array<i32>} : memref<128xf32, #tpu.memory_space<vmem>>, vector<16xf32>,
    %broadcast_in_dim3A_19 = arith.constant 1.000000e+00 : f32
    %broadcast_in_dim3A_20 = vector.broadcast %broadcast_in_dim3A_19 : f32 to vector<16xf32>
    %swap3A_21 = arith.constant 48 : index
    %swap3A_22 = tpu.vector_load %arg6[%swap3A_21] {strides = array<i32>} : memref<128xf32, #tpu.memory_space<vmem>>, vector<16xf32>,
    %swap3A_23 = vector.shape_cast %swap3A_22 : vector<16xf32> to vector<16xf32>
    %swap3A_24 = vector.shape_cast %broadcast_in_dim3A_20 : vector<16xf32> to vector<16xf32>
    tpu.vector_store %arg6[%swap3A_21], %swap3A_24 {strides = array<i32>} : memref<128xf32, #tpu.memory_space<vmem>>, vector<16xf32>,
    %broadcast_in_dim3A_25 = arith.constant 1.000000e+00 : f32
    %broadcast_in_dim3A_26 = vector.broadcast %broadcast_in_dim3A_25 : f32 to vector<16xf32>
    %swap3A_27 = arith.constant 64 : index
    %swap3A_28 = tpu.vector_load %arg6[%swap3A_27] {strides = array<i32>} : memref<128xf32, #tpu.memory_space<vmem>>, vector<16xf32>,
    %swap3A_29 = vector.shape_cast %swap3A_28 : vector<16xf32> to vector<16xf32>
    %swap3A_30 = vector.shape_cast %broadcast_in_dim3A_26 : vector<16xf32> to vector<16xf32>
    tpu.vector_store %arg6[%swap3A_27], %swap3A_30 {strides = array<i32>} : memref<128xf32, #tpu.memory_space<vmem>>, vector<16xf32>,
    %broadcast_in_dim3A_31 = arith.constant 1.000000e+00 : f32
    %broadcast_in_dim3A_32 = vector.broadcast %broadcast_in_dim3A_31 : f32 to vector<16xf32>
    %swap3A_33 = arith.constant 80 : index
    %swap3A_34 = tpu.vector_load %arg6[%swap3A_33] {strides = array<i32>} : memref<128xf32, #tpu.memory_space<vmem>>, vector<16xf32>,
    %swap3A_35 = vector.shape_cast %swap3A_34 : vector<16xf32> to vector<16xf32>
    %swap3A_36 = vector.shape_cast %broadcast_in_dim3A_32 : vector<16xf32> to vector<16xf32>
    tpu.vector_store %arg6[%swap3A_33], %swap3A_36 {strides = array<i32>} : memref<128xf32, #tpu.memory_space<vmem>>, vector<16xf32>,
    %broadcast_in_dim3A_37 = arith.constant 1.000000e+00 : f32
    %broadcast_in_dim3A_38 = vector.broadcast %broadcast_in_dim3A_37 : f32 to vector<16xf32>
    %swap3A_39 = arith.constant 96 : index
    %swap3A_40 = tpu.vector_load %arg6[%swap3A_39] {strides = array<i32>} : memref<128xf32, #tpu.memory_space<vmem>>, vector<16xf32>,
    %swap3A_41 = vector.shape_cast %swap3A_40 : vector<16xf32> to vector<16xf32>
    %swap3A_42 = vector.shape_cast %broadcast_in_dim3A_38 : vector<16xf32> to vector<16xf32>
    tpu.vector_store %arg6[%swap3A_39], %swap3A_42 {strides = array<i32>} : memref<128xf32, #tpu.memory_space<vmem>>, vector<16xf32>,
    %broadcast_in_dim3A_43 = arith.constant 1.000000e+00 : f32
    %broadcast_in_dim3A_44 = vector.broadcast %broadcast_in_dim3A_43 : f32 to vector<16xf32>
    %swap3A_45 = arith.constant 112 : index
    %swap3A_46 = tpu.vector_load %arg6[%swap3A_45] {strides = array<i32>} : memref<128xf32, #tpu.memory_space<vmem>>, vector<16xf32>,
    %swap3A_47 = vector.shape_cast %swap3A_46 : vector<16xf32> to vector<16xf32>
    %swap3A_48 = vector.shape_cast %broadcast_in_dim3A_44 : vector<16xf32> to vector<16xf32>
    tpu.vector_store %arg6[%swap3A_45], %swap3A_48 {strides = array<i32>} : memref<128xf32, #tpu.memory_space<vmem>>, vector<16xf32>,
    "tpu.region"() ({
      %run_scoped3A = tpu.sem_alloc : memref<!tpu.dma_semaphore, #tpu.memory_space<semaphore_mem>>
      %dma_start3A = arith.constant 0 : i32
      %dma_start3A_61 = arith.constant 0 : i32
      %dma_start3A_62 = tpu.memref_slice %arg2[%add3A, %dma_start3A, %dma_start3A_61] : memref<32x80x128xi32, #tpu.memory_space<hbm>> -> memref<1x80x128xi32, #tpu.memory_space<hbm>>
      %dma_start3A_63 = tpu.memref_squeeze %dma_start3A_62 : memref<1x80x128xi32, #tpu.memory_space<hbm>> -> memref<80x128xi32, #tpu.memory_space<hbm>>
      %dma_start3A_64 = arith.constant 0 : i32
      %dma_start3A_65 = arith.constant 0 : i32
      %dma_start3A_66 = tpu.memref_slice %arg2[%add3A, %dma_start3A_64, %dma_start3A_65] : memref<32x80x128xi32, #tpu.memory_space<hbm>> -> memref<1x80x128xi32, #tpu.memory_space<hbm>>
      %dma_start3A_67 = tpu.memref_squeeze %dma_start3A_66 : memref<1x80x128xi32, #tpu.memory_space<hbm>> -> memref<80x128xi32, #tpu.memory_space<hbm>>
      tpu.enqueue_dma source(%dma_start3A_67 : memref<80x128xi32, #tpu.memory_space<hbm>>) target(%arg5 : memref<80x128xi32, #tpu.memory_space<vmem>>) target_semaphore(%run_scoped3A : memref<!tpu.dma_semaphore, #tpu.memory_space<semaphore_mem>>)
      %dma_wait3A = arith.constant 0 : i32
      %dma_wait3A_68 = arith.constant 0 : i32
      %dma_wait3A_69 = tpu.memref_slice %arg2[%add3A, %dma_wait3A, %dma_wait3A_68] : memref<32x80x128xi32, #tpu.memory_space<hbm>> -> memref<1x80x128xi32, #tpu.memory_space<hbm>>
      %dma_wait3A_70 = tpu.memref_squeeze %dma_wait3A_69 : memref<1x80x128xi32, #tpu.memory_space<hbm>> -> memref<80x128xi32, #tpu.memory_space<hbm>>
      %dma_wait3A_71 = arith.constant 0 : i32
      %dma_wait3A_72 = arith.constant 0 : i32
      %dma_wait3A_73 = tpu.memref_slice %arg2[%add3A, %dma_wait3A_71, %dma_wait3A_72] : memref<32x80x128xi32, #tpu.memory_space<hbm>> -> memref<1x80x128xi32, #tpu.memory_space<hbm>>
      %dma_wait3A_74 = tpu.memref_squeeze %dma_wait3A_73 : memref<1x80x128xi32, #tpu.memory_space<hbm>> -> memref<80x128xi32, #tpu.memory_space<hbm>>
      tpu.wait_dma2 semaphore(%run_scoped3A : memref<!tpu.dma_semaphore, #tpu.memory_space<semaphore_mem>>) src(%dma_wait3A_74 : memref<80x128xi32, #tpu.memory_space<hbm>>) dst(%arg5 : memref<80x128xi32, #tpu.memory_space<vmem>>)
      tpu.yield
    }) : () -> ()
    %barrier3A = arith.constant 0 : index
    tpu.barrier barrier_id(%barrier3A)
    %scan3A = arith.constant 0 : i32
    %scan3A_49 = arith.constant 0 : i32
    %scan3A_50 = arith.constant 80 : i32
    %scan3A_51 = arith.addi %scan3A_49, %scan3A_50 : i32
    %scan3A_52 = arith.constant 1 : i32
    scf.for %scan3A_61 = %scan3A_49 to %scan3A_51 step %scan3A_52  : i32 {
      %dma_start3A = arith.constant 0 : i32
      %dma_start3A_62 = tpu.memref_slice %arg5[%scan3A_61, %dma_start3A] : memref<80x128xi32, #tpu.memory_space<vmem>> -> memref<1x128xi32, #tpu.memory_space<vmem>>
      %dma_start3A_63 = tpu.memref_squeeze %dma_start3A_62 : memref<1x128xi32, #tpu.memory_space<vmem>> -> memref<128xi32, #tpu.memory_space<vmem>>
      %dma_start3A_64 = arith.constant 0 : i32
      %dma_start3A_65 = tpu.memref_slice %arg7[%dma_start3A_64] : memref<10240xf32, #tpu.memory_space<vmem_shared>> -> memref<10240xf32, #tpu.memory_space<vmem_shared>>
      tpu.enqueue_indirect_dma source(%arg6 : memref<128xf32, #tpu.memory_space<vmem>>) target(%dma_start3A_65 : memref<10240xf32, #tpu.memory_space<vmem_shared>>) offsets(%dma_start3A_63 : memref<128xi32, #tpu.memory_space<vmem>>) semaphore(%arg8 : memref<!tpu.dma_semaphore, #tpu.memory_space<semaphore_mem>>) {add = true}
    }
    %scan3A_53 = arith.constant 80 : i32
    %scan3A_54 = arith.constant 0 : i32
    %scan3A_55 = arith.constant 0 : i32
    %scan3A_56 = arith.constant 80 : i32
    %scan3A_57 = arith.addi %scan3A_55, %scan3A_56 : i32
    %scan3A_58 = arith.constant 1 : i32
    scf.for %scan3A_61 = %scan3A_55 to %scan3A_57 step %scan3A_58  : i32 {
      %dma_wait3A = arith.constant 0 : i32
      %dma_wait3A_62 = arith.constant 0 : i32
      %dma_wait3A_63 = tpu.memref_slice %arg5[%dma_wait3A, %dma_wait3A_62] : memref<80x128xi32, #tpu.memory_space<vmem>> -> memref<1x128xi32, #tpu.memory_space<vmem>>
      %dma_wait3A_64 = tpu.memref_squeeze %dma_wait3A_63 : memref<1x128xi32, #tpu.memory_space<vmem>> -> memref<128xi32, #tpu.memory_space<vmem>>
      %dma_wait3A_65 = arith.constant 0 : i32
      %dma_wait3A_66 = tpu.memref_slice %arg7[%dma_wait3A_65] : memref<10240xf32, #tpu.memory_space<vmem_shared>> -> memref<10240xf32, #tpu.memory_space<vmem_shared>>
      tpu.wait_indirect_dma semaphore(%arg8 : memref<!tpu.dma_semaphore, #tpu.memory_space<semaphore_mem>>) src(%arg6 : memref<128xf32, #tpu.memory_space<vmem>>) dst(%dma_wait3A_66 : memref<10240xf32, #tpu.memory_space<vmem_shared>>)
    }
    %scan3A_59 = arith.constant 80 : i32
    %barrier3A_60 = arith.constant 0 : index
    tpu.barrier barrier_id(%barrier3A_60)
    "tpu.region"() ({
      %run_scoped3A = tpu.sem_alloc : memref<!tpu.dma_semaphore, #tpu.memory_space<semaphore_mem>>
      %dma_start3A = arith.constant 0 : i32
      %dma_start3A_61 = tpu.memref_slice %arg4[%add3A, %dma_start3A] : memref<32x640xf32, #tpu.memory_space<hbm>> -> memref<1x640xf32, #tpu.memory_space<hbm>>
      %dma_start3A_62 = tpu.memref_squeeze %dma_start3A_61 : memref<1x640xf32, #tpu.memory_space<hbm>> -> memref<640xf32, #tpu.memory_space<hbm>>
      %dma_start3A_63 = tpu.memref_slice %arg7[%mul3A_2] : memref<10240xf32, #tpu.memory_space<vmem_shared>> -> memref<640xf32, #tpu.memory_space<vmem_shared>>
      tpu.enqueue_dma source(%dma_start3A_63 : memref<640xf32, #tpu.memory_space<vmem_shared>>) target(%dma_start3A_62 : memref<640xf32, #tpu.memory_space<hbm>>) target_semaphore(%run_scoped3A : memref<!tpu.dma_semaphore, #tpu.memory_space<semaphore_mem>>)
      %dma_wait3A = arith.constant 0 : i32
      %dma_wait3A_64 = tpu.memref_slice %arg4[%add3A, %dma_wait3A] : memref<32x640xf32, #tpu.memory_space<hbm>> -> memref<1x640xf32, #tpu.memory_space<hbm>>
      %dma_wait3A_65 = tpu.memref_squeeze %dma_wait3A_64 : memref<1x640xf32, #tpu.memory_space<hbm>> -> memref<640xf32, #tpu.memory_space<hbm>>
      %dma_wait3A_66 = tpu.memref_slice %arg7[%mul3A_2] : memref<10240xf32, #tpu.memory_space<vmem_shared>> -> memref<640xf32, #tpu.memory_space<vmem_shared>>
      tpu.wait_dma2 semaphore(%run_scoped3A : memref<!tpu.dma_semaphore, #tpu.memory_space<semaphore_mem>>) src(%dma_wait3A_66 : memref<640xf32, #tpu.memory_space<vmem_shared>>) dst(%dma_wait3A_65 : memref<640xf32, #tpu.memory_space<hbm>>)
      tpu.yield
    }) : () -> ()
    return
  }
}

#map = affine_map<(d0, d1) -> (0, 0)>
#map1 = affine_map<(d0, d1) -> (0, 0, 0)>
module attributes {stable_mosaic.version = 14 : i64} {
  func.func @_agg_body(%arg0: i32, %arg1: i32, %arg2: memref<10240x128xf32, #tpu.memory_space<hbm>>, %arg3: memref<32x80x128xi32, #tpu.memory_space<hbm>>, %arg4: memref<32x80x128xi32, #tpu.memory_space<hbm>>, %arg5: memref<10240x128xf32, #tpu.memory_space<hbm>>, %arg6: memref<32x640x128xf32, #tpu.memory_space<hbm>>, %arg7: memref<2x128xi32, #tpu.memory_space<vmem>>, %arg8: memref<2x128xi32, #tpu.memory_space<vmem>>, %arg9: memref<2x128xi32, #tpu.memory_space<vmem>>, %arg10: memref<2x128xi32, #tpu.memory_space<vmem>>, %arg11: memref<128x128xf32, #tpu.memory_space<vmem>>, %arg12: memref<128x128xf32, #tpu.memory_space<vmem>>, %arg13: memref<10240x128xf32, #tpu.memory_space<vmem_shared>>, %arg14: memref<!tpu.dma_semaphore, #tpu.memory_space<semaphore_mem>>, %arg15: memref<!tpu.dma_semaphore, #tpu.memory_space<semaphore_mem>>, %arg16: memref<!tpu.dma_semaphore, #tpu.memory_space<semaphore_mem>>, %arg17: memref<!tpu.dma_semaphore, #tpu.memory_space<semaphore_mem>>, %arg18: memref<!tpu.dma_semaphore, #tpu.memory_space<semaphore_mem>>, %arg19: memref<!tpu.dma_semaphore, #tpu.memory_space<semaphore_mem>>, %arg20: memref<!tpu.dma_semaphore, #tpu.memory_space<semaphore_mem>>) attributes {dimension_semantics = [#tpu.dimension_semantics<core_parallel>, #tpu.dimension_semantics<subcore_parallel>], iteration_bounds = array<i64: 2, 16>, scalar_prefetch = 0 : i64, scratch_operands = 14 : i64, tpu.core_type = #tpu.core_type<sc_vector_subcore>, window_params = [{transform_indices = #map}, {transform_indices = #map1}, {transform_indices = #map1}, {transform_indices = #map}, {transform_indices = #map1}]} {
    %mul3A = arith.constant 16 : i32
    %mul3A_0 = arith.muli %arg0, %mul3A : i32
    %add3A = arith.addi %mul3A_0, %arg1 : i32
    %mul3A_1 = arith.constant 640 : i32
    %mul3A_2 = arith.muli %arg1, %mul3A_1 : i32
    %eq3A = arith.constant 0 : i32
    %eq3A_3 = arith.cmpi eq, %arg0, %eq3A : i32
    %convert_element_type3A = arith.extui %eq3A_3 : i1 to i32
    %cond3A = arith.constant 0 : i32
    %cond3A_4 = arith.cmpi ne, %convert_element_type3A, %cond3A : i32
    scf.if %cond3A_4 {
      %dma_start3A_80 = arith.constant 0 : i32
      %dma_start3A_81 = tpu.memref_slice %arg13[%mul3A_2, %dma_start3A_80] : memref<10240x128xf32, #tpu.memory_space<vmem_shared>> -> memref<640x128xf32, #tpu.memory_space<vmem_shared>>
      %dma_start3A_82 = arith.constant 0 : i32
      %dma_start3A_83 = tpu.memref_slice %arg2[%mul3A_2, %dma_start3A_82] : memref<10240x128xf32, #tpu.memory_space<hbm>> -> memref<640x128xf32, #tpu.memory_space<hbm>>
      tpu.enqueue_dma source(%dma_start3A_83 : memref<640x128xf32, #tpu.memory_space<hbm>>) target(%dma_start3A_81 : memref<640x128xf32, #tpu.memory_space<vmem_shared>>) target_semaphore(%arg20 : memref<!tpu.dma_semaphore, #tpu.memory_space<semaphore_mem>>)
    } else {
    }
    %eq3A_5 = arith.constant 1 : i32
    %eq3A_6 = arith.cmpi eq, %arg0, %eq3A_5 : i32
    %convert_element_type3A_7 = arith.extui %eq3A_6 : i1 to i32
    %cond3A_8 = arith.constant 0 : i32
    %cond3A_9 = arith.cmpi ne, %convert_element_type3A_7, %cond3A_8 : i32
    scf.if %cond3A_9 {
      %dma_start3A_80 = arith.constant 0 : i32
      %dma_start3A_81 = tpu.memref_slice %arg13[%mul3A_2, %dma_start3A_80] : memref<10240x128xf32, #tpu.memory_space<vmem_shared>> -> memref<640x128xf32, #tpu.memory_space<vmem_shared>>
      %dma_start3A_82 = arith.constant 0 : i32
      %dma_start3A_83 = tpu.memref_slice %arg5[%mul3A_2, %dma_start3A_82] : memref<10240x128xf32, #tpu.memory_space<hbm>> -> memref<640x128xf32, #tpu.memory_space<hbm>>
      tpu.enqueue_dma source(%dma_start3A_83 : memref<640x128xf32, #tpu.memory_space<hbm>>) target(%dma_start3A_81 : memref<640x128xf32, #tpu.memory_space<vmem_shared>>) target_semaphore(%arg20 : memref<!tpu.dma_semaphore, #tpu.memory_space<semaphore_mem>>)
    } else {
    }
    %dma_start3A = arith.constant 0 : i32
    %dma_start3A_10 = arith.constant 0 : i32
    %dma_start3A_11 = tpu.memref_slice %arg3[%add3A, %dma_start3A, %dma_start3A_10] : memref<32x80x128xi32, #tpu.memory_space<hbm>> -> memref<1x2x128xi32, #tpu.memory_space<hbm>>
    %dma_start3A_12 = tpu.memref_squeeze %dma_start3A_11 : memref<1x2x128xi32, #tpu.memory_space<hbm>> -> memref<2x128xi32, #tpu.memory_space<hbm>>
    %dma_start3A_13 = arith.constant 0 : i32
    %dma_start3A_14 = arith.constant 0 : i32
    %dma_start3A_15 = tpu.memref_slice %arg3[%add3A, %dma_start3A_13, %dma_start3A_14] : memref<32x80x128xi32, #tpu.memory_space<hbm>> -> memref<1x2x128xi32, #tpu.memory_space<hbm>>
    %dma_start3A_16 = tpu.memref_squeeze %dma_start3A_15 : memref<1x2x128xi32, #tpu.memory_space<hbm>> -> memref<2x128xi32, #tpu.memory_space<hbm>>
    tpu.enqueue_dma source(%dma_start3A_16 : memref<2x128xi32, #tpu.memory_space<hbm>>) target(%arg7 : memref<2x128xi32, #tpu.memory_space<vmem>>) target_semaphore(%arg14 : memref<!tpu.dma_semaphore, #tpu.memory_space<semaphore_mem>>)
    %dma_start3A_17 = arith.constant 0 : i32
    %dma_start3A_18 = arith.constant 0 : i32
    %dma_start3A_19 = tpu.memref_slice %arg4[%add3A, %dma_start3A_17, %dma_start3A_18] : memref<32x80x128xi32, #tpu.memory_space<hbm>> -> memref<1x2x128xi32, #tpu.memory_space<hbm>>
    %dma_start3A_20 = tpu.memref_squeeze %dma_start3A_19 : memref<1x2x128xi32, #tpu.memory_space<hbm>> -> memref<2x128xi32, #tpu.memory_space<hbm>>
    %dma_start3A_21 = arith.constant 0 : i32
    %dma_start3A_22 = arith.constant 0 : i32
    %dma_start3A_23 = tpu.memref_slice %arg4[%add3A, %dma_start3A_21, %dma_start3A_22] : memref<32x80x128xi32, #tpu.memory_space<hbm>> -> memref<1x2x128xi32, #tpu.memory_space<hbm>>
    %dma_start3A_24 = tpu.memref_squeeze %dma_start3A_23 : memref<1x2x128xi32, #tpu.memory_space<hbm>> -> memref<2x128xi32, #tpu.memory_space<hbm>>
    tpu.enqueue_dma source(%dma_start3A_24 : memref<2x128xi32, #tpu.memory_space<hbm>>) target(%arg9 : memref<2x128xi32, #tpu.memory_space<vmem>>) target_semaphore(%arg14 : memref<!tpu.dma_semaphore, #tpu.memory_space<semaphore_mem>>)
    %dma_wait3A = arith.constant 0 : i32
    %dma_wait3A_25 = arith.constant 0 : i32
    %dma_wait3A_26 = tpu.memref_slice %arg3[%add3A, %dma_wait3A, %dma_wait3A_25] : memref<32x80x128xi32, #tpu.memory_space<hbm>> -> memref<1x2x128xi32, #tpu.memory_space<hbm>>
    %dma_wait3A_27 = tpu.memref_squeeze %dma_wait3A_26 : memref<1x2x128xi32, #tpu.memory_space<hbm>> -> memref<2x128xi32, #tpu.memory_space<hbm>>
    %dma_wait3A_28 = arith.constant 0 : i32
    %dma_wait3A_29 = arith.constant 0 : i32
    %dma_wait3A_30 = tpu.memref_slice %arg3[%add3A, %dma_wait3A_28, %dma_wait3A_29] : memref<32x80x128xi32, #tpu.memory_space<hbm>> -> memref<1x2x128xi32, #tpu.memory_space<hbm>>
    %dma_wait3A_31 = tpu.memref_squeeze %dma_wait3A_30 : memref<1x2x128xi32, #tpu.memory_space<hbm>> -> memref<2x128xi32, #tpu.memory_space<hbm>>
    tpu.wait_dma2 semaphore(%arg14 : memref<!tpu.dma_semaphore, #tpu.memory_space<semaphore_mem>>) src(%dma_wait3A_31 : memref<2x128xi32, #tpu.memory_space<hbm>>) dst(%arg7 : memref<2x128xi32, #tpu.memory_space<vmem>>)
    %dma_wait3A_32 = arith.constant 0 : i32
    %dma_wait3A_33 = arith.constant 0 : i32
    %dma_wait3A_34 = tpu.memref_slice %arg4[%add3A, %dma_wait3A_32, %dma_wait3A_33] : memref<32x80x128xi32, #tpu.memory_space<hbm>> -> memref<1x2x128xi32, #tpu.memory_space<hbm>>
    %dma_wait3A_35 = tpu.memref_squeeze %dma_wait3A_34 : memref<1x2x128xi32, #tpu.memory_space<hbm>> -> memref<2x128xi32, #tpu.memory_space<hbm>>
    %dma_wait3A_36 = arith.constant 0 : i32
    %dma_wait3A_37 = arith.constant 0 : i32
    %dma_wait3A_38 = tpu.memref_slice %arg4[%add3A, %dma_wait3A_36, %dma_wait3A_37] : memref<32x80x128xi32, #tpu.memory_space<hbm>> -> memref<1x2x128xi32, #tpu.memory_space<hbm>>
    %dma_wait3A_39 = tpu.memref_squeeze %dma_wait3A_38 : memref<1x2x128xi32, #tpu.memory_space<hbm>> -> memref<2x128xi32, #tpu.memory_space<hbm>>
    tpu.wait_dma2 semaphore(%arg14 : memref<!tpu.dma_semaphore, #tpu.memory_space<semaphore_mem>>) src(%dma_wait3A_39 : memref<2x128xi32, #tpu.memory_space<hbm>>) dst(%arg9 : memref<2x128xi32, #tpu.memory_space<vmem>>)
    %dma_start3A_40 = arith.constant 0 : i32
    %dma_start3A_41 = arith.constant 0 : i32
    %dma_start3A_42 = tpu.memref_slice %arg7[%dma_start3A_40, %dma_start3A_41] : memref<2x128xi32, #tpu.memory_space<vmem>> -> memref<1x128xi32, #tpu.memory_space<vmem>>
    %dma_start3A_43 = tpu.memref_squeeze %dma_start3A_42 : memref<1x128xi32, #tpu.memory_space<vmem>> -> memref<128xi32, #tpu.memory_space<vmem>>
    %dma_start3A_44 = arith.constant 0 : i32
    %dma_start3A_45 = arith.constant 0 : i32
    %dma_start3A_46 = tpu.memref_slice %arg2[%dma_start3A_44, %dma_start3A_45] : memref<10240x128xf32, #tpu.memory_space<hbm>> -> memref<10240x128xf32, #tpu.memory_space<hbm>>
    tpu.enqueue_indirect_dma source(%dma_start3A_46 : memref<10240x128xf32, #tpu.memory_space<hbm>>) target(%arg11 : memref<128x128xf32, #tpu.memory_space<vmem>>) offsets(%dma_start3A_43 : memref<128xi32, #tpu.memory_space<vmem>>) semaphore(%arg16 : memref<!tpu.dma_semaphore, #tpu.memory_space<semaphore_mem>>)
    %dma_start3A_47 = arith.constant 1 : i32
    %dma_start3A_48 = arith.constant 0 : i32
    %dma_start3A_49 = tpu.memref_slice %arg7[%dma_start3A_47, %dma_start3A_48] : memref<2x128xi32, #tpu.memory_space<vmem>> -> memref<1x128xi32, #tpu.memory_space<vmem>>
    %dma_start3A_50 = tpu.memref_squeeze %dma_start3A_49 : memref<1x128xi32, #tpu.memory_space<vmem>> -> memref<128xi32, #tpu.memory_space<vmem>>
    %dma_start3A_51 = arith.constant 0 : i32
    %dma_start3A_52 = arith.constant 0 : i32
    %dma_start3A_53 = tpu.memref_slice %arg2[%dma_start3A_51, %dma_start3A_52] : memref<10240x128xf32, #tpu.memory_space<hbm>> -> memref<10240x128xf32, #tpu.memory_space<hbm>>
    tpu.enqueue_indirect_dma source(%dma_start3A_53 : memref<10240x128xf32, #tpu.memory_space<hbm>>) target(%arg12 : memref<128x128xf32, #tpu.memory_space<vmem>>) offsets(%dma_start3A_50 : memref<128xi32, #tpu.memory_space<vmem>>) semaphore(%arg17 : memref<!tpu.dma_semaphore, #tpu.memory_space<semaphore_mem>>)
    %dma_start3A_54 = arith.constant 2 : i32
    %dma_start3A_55 = arith.constant 0 : i32
    %dma_start3A_56 = tpu.memref_slice %arg3[%add3A, %dma_start3A_54, %dma_start3A_55] : memref<32x80x128xi32, #tpu.memory_space<hbm>> -> memref<1x2x128xi32, #tpu.memory_space<hbm>>
    %dma_start3A_57 = tpu.memref_squeeze %dma_start3A_56 : memref<1x2x128xi32, #tpu.memory_space<hbm>> -> memref<2x128xi32, #tpu.memory_space<hbm>>
    %dma_start3A_58 = arith.constant 2 : i32
    %dma_start3A_59 = arith.constant 0 : i32
    %dma_start3A_60 = tpu.memref_slice %arg3[%add3A, %dma_start3A_58, %dma_start3A_59] : memref<32x80x128xi32, #tpu.memory_space<hbm>> -> memref<1x2x128xi32, #tpu.memory_space<hbm>>
    %dma_start3A_61 = tpu.memref_squeeze %dma_start3A_60 : memref<1x2x128xi32, #tpu.memory_space<hbm>> -> memref<2x128xi32, #tpu.memory_space<hbm>>
    tpu.enqueue_dma source(%dma_start3A_61 : memref<2x128xi32, #tpu.memory_space<hbm>>) target(%arg8 : memref<2x128xi32, #tpu.memory_space<vmem>>) target_semaphore(%arg15 : memref<!tpu.dma_semaphore, #tpu.memory_space<semaphore_mem>>)
    %dma_start3A_62 = arith.constant 2 : i32
    %dma_start3A_63 = arith.constant 0 : i32
    %dma_start3A_64 = tpu.memref_slice %arg4[%add3A, %dma_start3A_62, %dma_start3A_63] : memref<32x80x128xi32, #tpu.memory_space<hbm>> -> memref<1x2x128xi32, #tpu.memory_space<hbm>>
    %dma_start3A_65 = tpu.memref_squeeze %dma_start3A_64 : memref<1x2x128xi32, #tpu.memory_space<hbm>> -> memref<2x128xi32, #tpu.memory_space<hbm>>
    %dma_start3A_66 = arith.constant 2 : i32
    %dma_start3A_67 = arith.constant 0 : i32
    %dma_start3A_68 = tpu.memref_slice %arg4[%add3A, %dma_start3A_66, %dma_start3A_67] : memref<32x80x128xi32, #tpu.memory_space<hbm>> -> memref<1x2x128xi32, #tpu.memory_space<hbm>>
    %dma_start3A_69 = tpu.memref_squeeze %dma_start3A_68 : memref<1x2x128xi32, #tpu.memory_space<hbm>> -> memref<2x128xi32, #tpu.memory_space<hbm>>
    tpu.enqueue_dma source(%dma_start3A_69 : memref<2x128xi32, #tpu.memory_space<hbm>>) target(%arg10 : memref<2x128xi32, #tpu.memory_space<vmem>>) target_semaphore(%arg15 : memref<!tpu.dma_semaphore, #tpu.memory_space<semaphore_mem>>)
    %dma_wait3A_70 = arith.constant 0 : i32
    %dma_wait3A_71 = tpu.memref_slice %arg13[%mul3A_2, %dma_wait3A_70] : memref<10240x128xf32, #tpu.memory_space<vmem_shared>> -> memref<640x128xf32, #tpu.memory_space<vmem_shared>>
    %dma_wait3A_72 = arith.constant 0 : i32
    %dma_wait3A_73 = tpu.memref_slice %arg2[%mul3A_2, %dma_wait3A_72] : memref<10240x128xf32, #tpu.memory_space<hbm>> -> memref<640x128xf32, #tpu.memory_space<hbm>>
    tpu.wait_dma2 semaphore(%arg20 : memref<!tpu.dma_semaphore, #tpu.memory_space<semaphore_mem>>) src(%dma_wait3A_73 : memref<640x128xf32, #tpu.memory_space<hbm>>) dst(%dma_wait3A_71 : memref<640x128xf32, #tpu.memory_space<vmem_shared>>)
    %barrier3A = arith.constant 0 : index
    tpu.barrier barrier_id(%barrier3A)
    %scan3A = arith.constant 0 : i32
    %scan3A_74 = arith.constant 0 : i32
    %scan3A_75 = arith.constant 20 : i32
    %scan3A_76 = arith.addi %scan3A_74, %scan3A_75 : i32
    %scan3A_77 = arith.constant 1 : i32
    scf.for %scan3A_80 = %scan3A_74 to %scan3A_76 step %scan3A_77  : i32 {
      %mul3A_81 = arith.constant 2 : i32
      %mul3A_82 = arith.muli %mul3A_81, %scan3A_80 : i32
      %dma_wait3A_83 = arith.constant 0 : i32
      %dma_wait3A_84 = arith.constant 0 : i32
      %dma_wait3A_85 = tpu.memref_slice %arg7[%dma_wait3A_83, %dma_wait3A_84] : memref<2x128xi32, #tpu.memory_space<vmem>> -> memref<1x128xi32, #tpu.memory_space<vmem>>
      %dma_wait3A_86 = tpu.memref_squeeze %dma_wait3A_85 : memref<1x128xi32, #tpu.memory_space<vmem>> -> memref<128xi32, #tpu.memory_space<vmem>>
      %dma_wait3A_87 = arith.constant 0 : i32
      %dma_wait3A_88 = arith.constant 0 : i32
      %dma_wait3A_89 = tpu.memref_slice %arg2[%dma_wait3A_87, %dma_wait3A_88] : memref<10240x128xf32, #tpu.memory_space<hbm>> -> memref<10240x128xf32, #tpu.memory_space<hbm>>
      tpu.wait_indirect_dma semaphore(%arg16 : memref<!tpu.dma_semaphore, #tpu.memory_space<semaphore_mem>>) src(%dma_wait3A_89 : memref<10240x128xf32, #tpu.memory_space<hbm>>) dst(%arg11 : memref<128x128xf32, #tpu.memory_space<vmem>>)
      %dma_start3A_90 = arith.constant 0 : i32
      %dma_start3A_91 = arith.constant 0 : i32
      %dma_start3A_92 = tpu.memref_slice %arg9[%dma_start3A_90, %dma_start3A_91] : memref<2x128xi32, #tpu.memory_space<vmem>> -> memref<1x128xi32, #tpu.memory_space<vmem>>
      %dma_start3A_93 = tpu.memref_squeeze %dma_start3A_92 : memref<1x128xi32, #tpu.memory_space<vmem>> -> memref<128xi32, #tpu.memory_space<vmem>>
      %dma_start3A_94 = arith.constant 0 : i32
      %dma_start3A_95 = arith.constant 0 : i32
      %dma_start3A_96 = tpu.memref_slice %arg13[%dma_start3A_94, %dma_start3A_95] : memref<10240x128xf32, #tpu.memory_space<vmem_shared>> -> memref<10240x128xf32, #tpu.memory_space<vmem_shared>>
      tpu.enqueue_indirect_dma source(%arg11 : memref<128x128xf32, #tpu.memory_space<vmem>>) target(%dma_start3A_96 : memref<10240x128xf32, #tpu.memory_space<vmem_shared>>) offsets(%dma_start3A_93 : memref<128xi32, #tpu.memory_space<vmem>>) semaphore(%arg18 : memref<!tpu.dma_semaphore, #tpu.memory_space<semaphore_mem>>) {add = true}
      %dma_wait3A_97 = arith.constant 0 : i32
      %dma_wait3A_98 = arith.constant 0 : i32
      %dma_wait3A_99 = tpu.memref_slice %arg9[%dma_wait3A_97, %dma_wait3A_98] : memref<2x128xi32, #tpu.memory_space<vmem>> -> memref<1x128xi32, #tpu.memory_space<vmem>>
      %dma_wait3A_100 = tpu.memref_squeeze %dma_wait3A_99 : memref<1x128xi32, #tpu.memory_space<vmem>> -> memref<128xi32, #tpu.memory_space<vmem>>
      %dma_wait3A_101 = arith.constant 0 : i32
      %dma_wait3A_102 = arith.constant 0 : i32
      %dma_wait3A_103 = tpu.memref_slice %arg13[%dma_wait3A_101, %dma_wait3A_102] : memref<10240x128xf32, #tpu.memory_space<vmem_shared>> -> memref<10240x128xf32, #tpu.memory_space<vmem_shared>>
      tpu.wait_indirect_dma semaphore(%arg18 : memref<!tpu.dma_semaphore, #tpu.memory_space<semaphore_mem>>) src(%arg11 : memref<128x128xf32, #tpu.memory_space<vmem>>) dst(%dma_wait3A_103 : memref<10240x128xf32, #tpu.memory_space<vmem_shared>>)
      %add3A_104 = arith.constant 1 : i32
      %add3A_105 = arith.addi %mul3A_82, %add3A_104 : i32
      %lt3A = arith.constant 40 : i32
      %lt3A_106 = arith.cmpi slt, %add3A_105, %lt3A : i32
      %convert_element_type3A_107 = arith.extui %lt3A_106 : i1 to i32
      %cond3A_108 = arith.constant 0 : i32
      %cond3A_109 = arith.cmpi ne, %convert_element_type3A_107, %cond3A_108 : i32
      scf.if %cond3A_109 {
        %dma_wait3A_226 = arith.constant 0 : i32
        %dma_wait3A_227 = arith.constant 0 : i32
        %dma_wait3A_228 = tpu.memref_slice %arg3[%add3A, %dma_wait3A_226, %dma_wait3A_227] : memref<32x80x128xi32, #tpu.memory_space<hbm>> -> memref<1x2x128xi32, #tpu.memory_space<hbm>>
        %dma_wait3A_229 = tpu.memref_squeeze %dma_wait3A_228 : memref<1x2x128xi32, #tpu.memory_space<hbm>> -> memref<2x128xi32, #tpu.memory_space<hbm>>
        %dma_wait3A_230 = arith.constant 0 : i32
        %dma_wait3A_231 = arith.constant 0 : i32
        %dma_wait3A_232 = tpu.memref_slice %arg3[%add3A, %dma_wait3A_230, %dma_wait3A_231] : memref<32x80x128xi32, #tpu.memory_space<hbm>> -> memref<1x2x128xi32, #tpu.memory_space<hbm>>
        %dma_wait3A_233 = tpu.memref_squeeze %dma_wait3A_232 : memref<1x2x128xi32, #tpu.memory_space<hbm>> -> memref<2x128xi32, #tpu.memory_space<hbm>>
        tpu.wait_dma2 semaphore(%arg15 : memref<!tpu.dma_semaphore, #tpu.memory_space<semaphore_mem>>) src(%dma_wait3A_233 : memref<2x128xi32, #tpu.memory_space<hbm>>) dst(%arg8 : memref<2x128xi32, #tpu.memory_space<vmem>>)
        %dma_wait3A_234 = arith.constant 0 : i32
        %dma_wait3A_235 = arith.constant 0 : i32
        %dma_wait3A_236 = tpu.memref_slice %arg4[%add3A, %dma_wait3A_234, %dma_wait3A_235] : memref<32x80x128xi32, #tpu.memory_space<hbm>> -> memref<1x2x128xi32, #tpu.memory_space<hbm>>
        %dma_wait3A_237 = tpu.memref_squeeze %dma_wait3A_236 : memref<1x2x128xi32, #tpu.memory_space<hbm>> -> memref<2x128xi32, #tpu.memory_space<hbm>>
        %dma_wait3A_238 = arith.constant 0 : i32
        %dma_wait3A_239 = arith.constant 0 : i32
        %dma_wait3A_240 = tpu.memref_slice %arg4[%add3A, %dma_wait3A_238, %dma_wait3A_239] : memref<32x80x128xi32, #tpu.memory_space<hbm>> -> memref<1x2x128xi32, #tpu.memory_space<hbm>>
        %dma_wait3A_241 = tpu.memref_squeeze %dma_wait3A_240 : memref<1x2x128xi32, #tpu.memory_space<hbm>> -> memref<2x128xi32, #tpu.memory_space<hbm>>
        tpu.wait_dma2 semaphore(%arg15 : memref<!tpu.dma_semaphore, #tpu.memory_space<semaphore_mem>>) src(%dma_wait3A_241 : memref<2x128xi32, #tpu.memory_space<hbm>>) dst(%arg10 : memref<2x128xi32, #tpu.memory_space<vmem>>)
      } else {
      }
      %add3A_110 = arith.constant 1 : i32
      %add3A_111 = arith.addi %mul3A_82, %add3A_110 : i32
      %lt3A_112 = arith.constant 40 : i32
      %lt3A_113 = arith.cmpi slt, %add3A_111, %lt3A_112 : i32
      %convert_element_type3A_114 = arith.extui %lt3A_113 : i1 to i32
      %cond3A_115 = arith.constant 0 : i32
      %cond3A_116 = arith.cmpi ne, %convert_element_type3A_114, %cond3A_115 : i32
      scf.if %cond3A_116 {
        %dma_start3A_226 = arith.constant 0 : i32
        %dma_start3A_227 = arith.constant 0 : i32
        %dma_start3A_228 = tpu.memref_slice %arg8[%dma_start3A_226, %dma_start3A_227] : memref<2x128xi32, #tpu.memory_space<vmem>> -> memref<1x128xi32, #tpu.memory_space<vmem>>
        %dma_start3A_229 = tpu.memref_squeeze %dma_start3A_228 : memref<1x128xi32, #tpu.memory_space<vmem>> -> memref<128xi32, #tpu.memory_space<vmem>>
        %dma_start3A_230 = arith.constant 0 : i32
        %dma_start3A_231 = arith.constant 0 : i32
        %dma_start3A_232 = tpu.memref_slice %arg2[%dma_start3A_230, %dma_start3A_231] : memref<10240x128xf32, #tpu.memory_space<hbm>> -> memref<10240x128xf32, #tpu.memory_space<hbm>>
        tpu.enqueue_indirect_dma source(%dma_start3A_232 : memref<10240x128xf32, #tpu.memory_space<hbm>>) target(%arg11 : memref<128x128xf32, #tpu.memory_space<vmem>>) offsets(%dma_start3A_229 : memref<128xi32, #tpu.memory_space<vmem>>) semaphore(%arg16 : memref<!tpu.dma_semaphore, #tpu.memory_space<semaphore_mem>>)
      } else {
      }
      %dma_wait3A_117 = arith.constant 1 : i32
      %dma_wait3A_118 = arith.constant 0 : i32
      %dma_wait3A_119 = tpu.memref_slice %arg7[%dma_wait3A_117, %dma_wait3A_118] : memref<2x128xi32, #tpu.memory_space<vmem>> -> memref<1x128xi32, #tpu.memory_space<vmem>>
      %dma_wait3A_120 = tpu.memref_squeeze %dma_wait3A_119 : memref<1x128xi32, #tpu.memory_space<vmem>> -> memref<128xi32, #tpu.memory_space<vmem>>
      %dma_wait3A_121 = arith.constant 0 : i32
      %dma_wait3A_122 = arith.constant 0 : i32
      %dma_wait3A_123 = tpu.memref_slice %arg2[%dma_wait3A_121, %dma_wait3A_122] : memref<10240x128xf32, #tpu.memory_space<hbm>> -> memref<10240x128xf32, #tpu.memory_space<hbm>>
      tpu.wait_indirect_dma semaphore(%arg17 : memref<!tpu.dma_semaphore, #tpu.memory_space<semaphore_mem>>) src(%dma_wait3A_123 : memref<10240x128xf32, #tpu.memory_space<hbm>>) dst(%arg12 : memref<128x128xf32, #tpu.memory_space<vmem>>)
      %dma_start3A_124 = arith.constant 1 : i32
      %dma_start3A_125 = arith.constant 0 : i32
      %dma_start3A_126 = tpu.memref_slice %arg9[%dma_start3A_124, %dma_start3A_125] : memref<2x128xi32, #tpu.memory_space<vmem>> -> memref<1x128xi32, #tpu.memory_space<vmem>>
      %dma_start3A_127 = tpu.memref_squeeze %dma_start3A_126 : memref<1x128xi32, #tpu.memory_space<vmem>> -> memref<128xi32, #tpu.memory_space<vmem>>
      %dma_start3A_128 = arith.constant 0 : i32
      %dma_start3A_129 = arith.constant 0 : i32
      %dma_start3A_130 = tpu.memref_slice %arg13[%dma_start3A_128, %dma_start3A_129] : memref<10240x128xf32, #tpu.memory_space<vmem_shared>> -> memref<10240x128xf32, #tpu.memory_space<vmem_shared>>
      tpu.enqueue_indirect_dma source(%arg12 : memref<128x128xf32, #tpu.memory_space<vmem>>) target(%dma_start3A_130 : memref<10240x128xf32, #tpu.memory_space<vmem_shared>>) offsets(%dma_start3A_127 : memref<128xi32, #tpu.memory_space<vmem>>) semaphore(%arg19 : memref<!tpu.dma_semaphore, #tpu.memory_space<semaphore_mem>>) {add = true}
      %dma_wait3A_131 = arith.constant 1 : i32
      %dma_wait3A_132 = arith.constant 0 : i32
      %dma_wait3A_133 = tpu.memref_slice %arg9[%dma_wait3A_131, %dma_wait3A_132] : memref<2x128xi32, #tpu.memory_space<vmem>> -> memref<1x128xi32, #tpu.memory_space<vmem>>
      %dma_wait3A_134 = tpu.memref_squeeze %dma_wait3A_133 : memref<1x128xi32, #tpu.memory_space<vmem>> -> memref<128xi32, #tpu.memory_space<vmem>>
      %dma_wait3A_135 = arith.constant 0 : i32
      %dma_wait3A_136 = arith.constant 0 : i32
      %dma_wait3A_137 = tpu.memref_slice %arg13[%dma_wait3A_135, %dma_wait3A_136] : memref<10240x128xf32, #tpu.memory_space<vmem_shared>> -> memref<10240x128xf32, #tpu.memory_space<vmem_shared>>
      tpu.wait_indirect_dma semaphore(%arg19 : memref<!tpu.dma_semaphore, #tpu.memory_space<semaphore_mem>>) src(%arg12 : memref<128x128xf32, #tpu.memory_space<vmem>>) dst(%dma_wait3A_137 : memref<10240x128xf32, #tpu.memory_space<vmem_shared>>)
      %add3A_138 = arith.constant 1 : i32
      %add3A_139 = arith.addi %mul3A_82, %add3A_138 : i32
      %lt3A_140 = arith.constant 40 : i32
      %lt3A_141 = arith.cmpi slt, %add3A_139, %lt3A_140 : i32
      %convert_element_type3A_142 = arith.extui %lt3A_141 : i1 to i32
      %cond3A_143 = arith.constant 0 : i32
      %cond3A_144 = arith.cmpi ne, %convert_element_type3A_142, %cond3A_143 : i32
      scf.if %cond3A_144 {
        %dma_start3A_226 = arith.constant 1 : i32
        %dma_start3A_227 = arith.constant 0 : i32
        %dma_start3A_228 = tpu.memref_slice %arg8[%dma_start3A_226, %dma_start3A_227] : memref<2x128xi32, #tpu.memory_space<vmem>> -> memref<1x128xi32, #tpu.memory_space<vmem>>
        %dma_start3A_229 = tpu.memref_squeeze %dma_start3A_228 : memref<1x128xi32, #tpu.memory_space<vmem>> -> memref<128xi32, #tpu.memory_space<vmem>>
        %dma_start3A_230 = arith.constant 0 : i32
        %dma_start3A_231 = arith.constant 0 : i32
        %dma_start3A_232 = tpu.memref_slice %arg2[%dma_start3A_230, %dma_start3A_231] : memref<10240x128xf32, #tpu.memory_space<hbm>> -> memref<10240x128xf32, #tpu.memory_space<hbm>>
        tpu.enqueue_indirect_dma source(%dma_start3A_232 : memref<10240x128xf32, #tpu.memory_space<hbm>>) target(%arg12 : memref<128x128xf32, #tpu.memory_space<vmem>>) offsets(%dma_start3A_229 : memref<128xi32, #tpu.memory_space<vmem>>) semaphore(%arg17 : memref<!tpu.dma_semaphore, #tpu.memory_space<semaphore_mem>>)
      } else {
      }
      %add3A_145 = arith.constant 2 : i32
      %add3A_146 = arith.addi %mul3A_82, %add3A_145 : i32
      %lt3A_147 = arith.constant 40 : i32
      %lt3A_148 = arith.cmpi slt, %add3A_146, %lt3A_147 : i32
      %convert_element_type3A_149 = arith.extui %lt3A_148 : i1 to i32
      %cond3A_150 = arith.constant 0 : i32
      %cond3A_151 = arith.cmpi ne, %convert_element_type3A_149, %cond3A_150 : i32
      scf.if %cond3A_151 {
        %add3A_226 = arith.constant 2 : i32
        %add3A_227 = arith.addi %mul3A_82, %add3A_226 : i32
        %mul3A_228 = arith.constant 2 : i32
        %mul3A_229 = arith.muli %add3A_227, %mul3A_228 : i32
        %dma_start3A_230 = arith.constant 0 : i32
        %dma_start3A_231 = tpu.memref_slice %arg3[%add3A, %mul3A_229, %dma_start3A_230] : memref<32x80x128xi32, #tpu.memory_space<hbm>> -> memref<1x2x128xi32, #tpu.memory_space<hbm>>
        %dma_start3A_232 = tpu.memref_squeeze %dma_start3A_231 : memref<1x2x128xi32, #tpu.memory_space<hbm>> -> memref<2x128xi32, #tpu.memory_space<hbm>>
        %dma_start3A_233 = arith.constant 0 : i32
        %dma_start3A_234 = tpu.memref_slice %arg3[%add3A, %mul3A_229, %dma_start3A_233] : memref<32x80x128xi32, #tpu.memory_space<hbm>> -> memref<1x2x128xi32, #tpu.memory_space<hbm>>
        %dma_start3A_235 = tpu.memref_squeeze %dma_start3A_234 : memref<1x2x128xi32, #tpu.memory_space<hbm>> -> memref<2x128xi32, #tpu.memory_space<hbm>>
        tpu.enqueue_dma source(%dma_start3A_235 : memref<2x128xi32, #tpu.memory_space<hbm>>) target(%arg7 : memref<2x128xi32, #tpu.memory_space<vmem>>) target_semaphore(%arg14 : memref<!tpu.dma_semaphore, #tpu.memory_space<semaphore_mem>>)
        %dma_start3A_236 = arith.constant 0 : i32
        %dma_start3A_237 = tpu.memref_slice %arg4[%add3A, %mul3A_229, %dma_start3A_236] : memref<32x80x128xi32, #tpu.memory_space<hbm>> -> memref<1x2x128xi32, #tpu.memory_space<hbm>>
        %dma_start3A_238 = tpu.memref_squeeze %dma_start3A_237 : memref<1x2x128xi32, #tpu.memory_space<hbm>> -> memref<2x128xi32, #tpu.memory_space<hbm>>
        %dma_start3A_239 = arith.constant 0 : i32
        %dma_start3A_240 = tpu.memref_slice %arg4[%add3A, %mul3A_229, %dma_start3A_239] : memref<32x80x128xi32, #tpu.memory_space<hbm>> -> memref<1x2x128xi32, #tpu.memory_space<hbm>>
        %dma_start3A_241 = tpu.memref_squeeze %dma_start3A_240 : memref<1x2x128xi32, #tpu.memory_space<hbm>> -> memref<2x128xi32, #tpu.memory_space<hbm>>
        tpu.enqueue_dma source(%dma_start3A_241 : memref<2x128xi32, #tpu.memory_space<hbm>>) target(%arg9 : memref<2x128xi32, #tpu.memory_space<vmem>>) target_semaphore(%arg14 : memref<!tpu.dma_semaphore, #tpu.memory_space<semaphore_mem>>)
      } else {
      }
      %mul3A_152 = arith.constant 2 : i32
      %mul3A_153 = arith.muli %mul3A_152, %scan3A_80 : i32
      %add3A_154 = arith.constant 1 : i32
      %add3A_155 = arith.addi %mul3A_153, %add3A_154 : i32
      %dma_wait3A_156 = arith.constant 0 : i32
      %dma_wait3A_157 = arith.constant 0 : i32
      %dma_wait3A_158 = tpu.memref_slice %arg8[%dma_wait3A_156, %dma_wait3A_157] : memref<2x128xi32, #tpu.memory_space<vmem>> -> memref<1x128xi32, #tpu.memory_space<vmem>>
      %dma_wait3A_159 = tpu.memref_squeeze %dma_wait3A_158 : memref<1x128xi32, #tpu.memory_space<vmem>> -> memref<128xi32, #tpu.memory_space<vmem>>
      %dma_wait3A_160 = arith.constant 0 : i32
      %dma_wait3A_161 = arith.constant 0 : i32
      %dma_wait3A_162 = tpu.memref_slice %arg2[%dma_wait3A_160, %dma_wait3A_161] : memref<10240x128xf32, #tpu.memory_space<hbm>> -> memref<10240x128xf32, #tpu.memory_space<hbm>>
      tpu.wait_indirect_dma semaphore(%arg16 : memref<!tpu.dma_semaphore, #tpu.memory_space<semaphore_mem>>) src(%dma_wait3A_162 : memref<10240x128xf32, #tpu.memory_space<hbm>>) dst(%arg11 : memref<128x128xf32, #tpu.memory_space<vmem>>)
      %dma_start3A_163 = arith.constant 0 : i32
      %dma_start3A_164 = arith.constant 0 : i32
      %dma_start3A_165 = tpu.memref_slice %arg10[%dma_start3A_163, %dma_start3A_164] : memref<2x128xi32, #tpu.memory_space<vmem>> -> memref<1x128xi32, #tpu.memory_space<vmem>>
      %dma_start3A_166 = tpu.memref_squeeze %dma_start3A_165 : memref<1x128xi32, #tpu.memory_space<vmem>> -> memref<128xi32, #tpu.memory_space<vmem>>
      %dma_start3A_167 = arith.constant 0 : i32
      %dma_start3A_168 = arith.constant 0 : i32
      %dma_start3A_169 = tpu.memref_slice %arg13[%dma_start3A_167, %dma_start3A_168] : memref<10240x128xf32, #tpu.memory_space<vmem_shared>> -> memref<10240x128xf32, #tpu.memory_space<vmem_shared>>
      tpu.enqueue_indirect_dma source(%arg11 : memref<128x128xf32, #tpu.memory_space<vmem>>) target(%dma_start3A_169 : memref<10240x128xf32, #tpu.memory_space<vmem_shared>>) offsets(%dma_start3A_166 : memref<128xi32, #tpu.memory_space<vmem>>) semaphore(%arg18 : memref<!tpu.dma_semaphore, #tpu.memory_space<semaphore_mem>>) {add = true}
      %dma_wait3A_170 = arith.constant 0 : i32
      %dma_wait3A_171 = arith.constant 0 : i32
      %dma_wait3A_172 = tpu.memref_slice %arg10[%dma_wait3A_170, %dma_wait3A_171] : memref<2x128xi32, #tpu.memory_space<vmem>> -> memref<1x128xi32, #tpu.memory_space<vmem>>
      %dma_wait3A_173 = tpu.memref_squeeze %dma_wait3A_172 : memref<1x128xi32, #tpu.memory_space<vmem>> -> memref<128xi32, #tpu.memory_space<vmem>>
      %dma_wait3A_174 = arith.constant 0 : i32
      %dma_wait3A_175 = arith.constant 0 : i32
      %dma_wait3A_176 = tpu.memref_slice %arg13[%dma_wait3A_174, %dma_wait3A_175] : memref<10240x128xf32, #tpu.memory_space<vmem_shared>> -> memref<10240x128xf32, #tpu.memory_space<vmem_shared>>
      tpu.wait_indirect_dma semaphore(%arg18 : memref<!tpu.dma_semaphore, #tpu.memory_space<semaphore_mem>>) src(%arg11 : memref<128x128xf32, #tpu.memory_space<vmem>>) dst(%dma_wait3A_176 : memref<10240x128xf32, #tpu.memory_space<vmem_shared>>)
      %add3A_177 = arith.constant 1 : i32
      %add3A_178 = arith.addi %add3A_155, %add3A_177 : i32
      %lt3A_179 = arith.constant 40 : i32
      %lt3A_180 = arith.cmpi slt, %add3A_178, %lt3A_179 : i32
      %convert_element_type3A_181 = arith.extui %lt3A_180 : i1 to i32
      %cond3A_182 = arith.constant 0 : i32
      %cond3A_183 = arith.cmpi ne, %convert_element_type3A_181, %cond3A_182 : i32
      scf.if %cond3A_183 {
        %dma_wait3A_226 = arith.constant 0 : i32
        %dma_wait3A_227 = arith.constant 0 : i32
        %dma_wait3A_228 = tpu.memref_slice %arg3[%add3A, %dma_wait3A_226, %dma_wait3A_227] : memref<32x80x128xi32, #tpu.memory_space<hbm>> -> memref<1x2x128xi32, #tpu.memory_space<hbm>>
        %dma_wait3A_229 = tpu.memref_squeeze %dma_wait3A_228 : memref<1x2x128xi32, #tpu.memory_space<hbm>> -> memref<2x128xi32, #tpu.memory_space<hbm>>
        %dma_wait3A_230 = arith.constant 0 : i32
        %dma_wait3A_231 = arith.constant 0 : i32
        %dma_wait3A_232 = tpu.memref_slice %arg3[%add3A, %dma_wait3A_230, %dma_wait3A_231] : memref<32x80x128xi32, #tpu.memory_space<hbm>> -> memref<1x2x128xi32, #tpu.memory_space<hbm>>
        %dma_wait3A_233 = tpu.memref_squeeze %dma_wait3A_232 : memref<1x2x128xi32, #tpu.memory_space<hbm>> -> memref<2x128xi32, #tpu.memory_space<hbm>>
        tpu.wait_dma2 semaphore(%arg14 : memref<!tpu.dma_semaphore, #tpu.memory_space<semaphore_mem>>) src(%dma_wait3A_233 : memref<2x128xi32, #tpu.memory_space<hbm>>) dst(%arg7 : memref<2x128xi32, #tpu.memory_space<vmem>>)
        %dma_wait3A_234 = arith.constant 0 : i32
        %dma_wait3A_235 = arith.constant 0 : i32
        %dma_wait3A_236 = tpu.memref_slice %arg4[%add3A, %dma_wait3A_234, %dma_wait3A_235] : memref<32x80x128xi32, #tpu.memory_space<hbm>> -> memref<1x2x128xi32, #tpu.memory_space<hbm>>
        %dma_wait3A_237 = tpu.memref_squeeze %dma_wait3A_236 : memref<1x2x128xi32, #tpu.memory_space<hbm>> -> memref<2x128xi32, #tpu.memory_space<hbm>>
        %dma_wait3A_238 = arith.constant 0 : i32
        %dma_wait3A_239 = arith.constant 0 : i32
        %dma_wait3A_240 = tpu.memref_slice %arg4[%add3A, %dma_wait3A_238, %dma_wait3A_239] : memref<32x80x128xi32, #tpu.memory_space<hbm>> -> memref<1x2x128xi32, #tpu.memory_space<hbm>>
        %dma_wait3A_241 = tpu.memref_squeeze %dma_wait3A_240 : memref<1x2x128xi32, #tpu.memory_space<hbm>> -> memref<2x128xi32, #tpu.memory_space<hbm>>
        tpu.wait_dma2 semaphore(%arg14 : memref<!tpu.dma_semaphore, #tpu.memory_space<semaphore_mem>>) src(%dma_wait3A_241 : memref<2x128xi32, #tpu.memory_space<hbm>>) dst(%arg9 : memref<2x128xi32, #tpu.memory_space<vmem>>)
      } else {
      }
      %add3A_184 = arith.constant 1 : i32
      %add3A_185 = arith.addi %add3A_155, %add3A_184 : i32
      %lt3A_186 = arith.constant 40 : i32
      %lt3A_187 = arith.cmpi slt, %add3A_185, %lt3A_186 : i32
      %convert_element_type3A_188 = arith.extui %lt3A_187 : i1 to i32
      %cond3A_189 = arith.constant 0 : i32
      %cond3A_190 = arith.cmpi ne, %convert_element_type3A_188, %cond3A_189 : i32
      scf.if %cond3A_190 {
        %dma_start3A_226 = arith.constant 0 : i32
        %dma_start3A_227 = arith.constant 0 : i32
        %dma_start3A_228 = tpu.memref_slice %arg7[%dma_start3A_226, %dma_start3A_227] : memref<2x128xi32, #tpu.memory_space<vmem>> -> memref<1x128xi32, #tpu.memory_space<vmem>>
        %dma_start3A_229 = tpu.memref_squeeze %dma_start3A_228 : memref<1x128xi32, #tpu.memory_space<vmem>> -> memref<128xi32, #tpu.memory_space<vmem>>
        %dma_start3A_230 = arith.constant 0 : i32
        %dma_start3A_231 = arith.constant 0 : i32
        %dma_start3A_232 = tpu.memref_slice %arg2[%dma_start3A_230, %dma_start3A_231] : memref<10240x128xf32, #tpu.memory_space<hbm>> -> memref<10240x128xf32, #tpu.memory_space<hbm>>
        tpu.enqueue_indirect_dma source(%dma_start3A_232 : memref<10240x128xf32, #tpu.memory_space<hbm>>) target(%arg11 : memref<128x128xf32, #tpu.memory_space<vmem>>) offsets(%dma_start3A_229 : memref<128xi32, #tpu.memory_space<vmem>>) semaphore(%arg16 : memref<!tpu.dma_semaphore, #tpu.memory_space<semaphore_mem>>)
      } else {
      }
      %dma_wait3A_191 = arith.constant 1 : i32
      %dma_wait3A_192 = arith.constant 0 : i32
      %dma_wait3A_193 = tpu.memref_slice %arg8[%dma_wait3A_191, %dma_wait3A_192] : memref<2x128xi32, #tpu.memory_space<vmem>> -> memref<1x128xi32, #tpu.memory_space<vmem>>
      %dma_wait3A_194 = tpu.memref_squeeze %dma_wait3A_193 : memref<1x128xi32, #tpu.memory_space<vmem>> -> memref<128xi32, #tpu.memory_space<vmem>>
      %dma_wait3A_195 = arith.constant 0 : i32
      %dma_wait3A_196 = arith.constant 0 : i32
      %dma_wait3A_197 = tpu.memref_slice %arg2[%dma_wait3A_195, %dma_wait3A_196] : memref<10240x128xf32, #tpu.memory_space<hbm>> -> memref<10240x128xf32, #tpu.memory_space<hbm>>
      tpu.wait_indirect_dma semaphore(%arg17 : memref<!tpu.dma_semaphore, #tpu.memory_space<semaphore_mem>>) src(%dma_wait3A_197 : memref<10240x128xf32, #tpu.memory_space<hbm>>) dst(%arg12 : memref<128x128xf32, #tpu.memory_space<vmem>>)
      %dma_start3A_198 = arith.constant 1 : i32
      %dma_start3A_199 = arith.constant 0 : i32
      %dma_start3A_200 = tpu.memref_slice %arg10[%dma_start3A_198, %dma_start3A_199] : memref<2x128xi32, #tpu.memory_space<vmem>> -> memref<1x128xi32, #tpu.memory_space<vmem>>
      %dma_start3A_201 = tpu.memref_squeeze %dma_start3A_200 : memref<1x128xi32, #tpu.memory_space<vmem>> -> memref<128xi32, #tpu.memory_space<vmem>>
      %dma_start3A_202 = arith.constant 0 : i32
      %dma_start3A_203 = arith.constant 0 : i32
      %dma_start3A_204 = tpu.memref_slice %arg13[%dma_start3A_202, %dma_start3A_203] : memref<10240x128xf32, #tpu.memory_space<vmem_shared>> -> memref<10240x128xf32, #tpu.memory_space<vmem_shared>>
      tpu.enqueue_indirect_dma source(%arg12 : memref<128x128xf32, #tpu.memory_space<vmem>>) target(%dma_start3A_204 : memref<10240x128xf32, #tpu.memory_space<vmem_shared>>) offsets(%dma_start3A_201 : memref<128xi32, #tpu.memory_space<vmem>>) semaphore(%arg19 : memref<!tpu.dma_semaphore, #tpu.memory_space<semaphore_mem>>) {add = true}
      %dma_wait3A_205 = arith.constant 1 : i32
      %dma_wait3A_206 = arith.constant 0 : i32
      %dma_wait3A_207 = tpu.memref_slice %arg10[%dma_wait3A_205, %dma_wait3A_206] : memref<2x128xi32, #tpu.memory_space<vmem>> -> memref<1x128xi32, #tpu.memory_space<vmem>>
      %dma_wait3A_208 = tpu.memref_squeeze %dma_wait3A_207 : memref<1x128xi32, #tpu.memory_space<vmem>> -> memref<128xi32, #tpu.memory_space<vmem>>
      %dma_wait3A_209 = arith.constant 0 : i32
      %dma_wait3A_210 = arith.constant 0 : i32
      %dma_wait3A_211 = tpu.memref_slice %arg13[%dma_wait3A_209, %dma_wait3A_210] : memref<10240x128xf32, #tpu.memory_space<vmem_shared>> -> memref<10240x128xf32, #tpu.memory_space<vmem_shared>>
      tpu.wait_indirect_dma semaphore(%arg19 : memref<!tpu.dma_semaphore, #tpu.memory_space<semaphore_mem>>) src(%arg12 : memref<128x128xf32, #tpu.memory_space<vmem>>) dst(%dma_wait3A_211 : memref<10240x128xf32, #tpu.memory_space<vmem_shared>>)
      %add3A_212 = arith.constant 1 : i32
      %add3A_213 = arith.addi %add3A_155, %add3A_212 : i32
      %lt3A_214 = arith.constant 40 : i32
      %lt3A_215 = arith.cmpi slt, %add3A_213, %lt3A_214 : i32
      %convert_element_type3A_216 = arith.extui %lt3A_215 : i1 to i32
      %cond3A_217 = arith.constant 0 : i32
      %cond3A_218 = arith.cmpi ne, %convert_element_type3A_216, %cond3A_217 : i32
      scf.if %cond3A_218 {
        %dma_start3A_226 = arith.constant 1 : i32
        %dma_start3A_227 = arith.constant 0 : i32
        %dma_start3A_228 = tpu.memref_slice %arg7[%dma_start3A_226, %dma_start3A_227] : memref<2x128xi32, #tpu.memory_space<vmem>> -> memref<1x128xi32, #tpu.memory_space<vmem>>
        %dma_start3A_229 = tpu.memref_squeeze %dma_start3A_228 : memref<1x128xi32, #tpu.memory_space<vmem>> -> memref<128xi32, #tpu.memory_space<vmem>>
        %dma_start3A_230 = arith.constant 0 : i32
        %dma_start3A_231 = arith.constant 0 : i32
        %dma_start3A_232 = tpu.memref_slice %arg2[%dma_start3A_230, %dma_start3A_231] : memref<10240x128xf32, #tpu.memory_space<hbm>> -> memref<10240x128xf32, #tpu.memory_space<hbm>>
        tpu.enqueue_indirect_dma source(%dma_start3A_232 : memref<10240x128xf32, #tpu.memory_space<hbm>>) target(%arg12 : memref<128x128xf32, #tpu.memory_space<vmem>>) offsets(%dma_start3A_229 : memref<128xi32, #tpu.memory_space<vmem>>) semaphore(%arg17 : memref<!tpu.dma_semaphore, #tpu.memory_space<semaphore_mem>>)
      } else {
      }
      %add3A_219 = arith.constant 2 : i32
      %add3A_220 = arith.addi %add3A_155, %add3A_219 : i32
      %lt3A_221 = arith.constant 40 : i32
      %lt3A_222 = arith.cmpi slt, %add3A_220, %lt3A_221 : i32
      %convert_element_type3A_223 = arith.extui %lt3A_222 : i1 to i32
      %cond3A_224 = arith.constant 0 : i32
      %cond3A_225 = arith.cmpi ne, %convert_element_type3A_223, %cond3A_224 : i32
      scf.if %cond3A_225 {
        %add3A_226 = arith.constant 2 : i32
        %add3A_227 = arith.addi %add3A_155, %add3A_226 : i32
        %mul3A_228 = arith.constant 2 : i32
        %mul3A_229 = arith.muli %add3A_227, %mul3A_228 : i32
        %dma_start3A_230 = arith.constant 0 : i32
        %dma_start3A_231 = tpu.memref_slice %arg3[%add3A, %mul3A_229, %dma_start3A_230] : memref<32x80x128xi32, #tpu.memory_space<hbm>> -> memref<1x2x128xi32, #tpu.memory_space<hbm>>
        %dma_start3A_232 = tpu.memref_squeeze %dma_start3A_231 : memref<1x2x128xi32, #tpu.memory_space<hbm>> -> memref<2x128xi32, #tpu.memory_space<hbm>>
        %dma_start3A_233 = arith.constant 0 : i32
        %dma_start3A_234 = tpu.memref_slice %arg3[%add3A, %mul3A_229, %dma_start3A_233] : memref<32x80x128xi32, #tpu.memory_space<hbm>> -> memref<1x2x128xi32, #tpu.memory_space<hbm>>
        %dma_start3A_235 = tpu.memref_squeeze %dma_start3A_234 : memref<1x2x128xi32, #tpu.memory_space<hbm>> -> memref<2x128xi32, #tpu.memory_space<hbm>>
        tpu.enqueue_dma source(%dma_start3A_235 : memref<2x128xi32, #tpu.memory_space<hbm>>) target(%arg8 : memref<2x128xi32, #tpu.memory_space<vmem>>) target_semaphore(%arg15 : memref<!tpu.dma_semaphore, #tpu.memory_space<semaphore_mem>>)
        %dma_start3A_236 = arith.constant 0 : i32
        %dma_start3A_237 = tpu.memref_slice %arg4[%add3A, %mul3A_229, %dma_start3A_236] : memref<32x80x128xi32, #tpu.memory_space<hbm>> -> memref<1x2x128xi32, #tpu.memory_space<hbm>>
        %dma_start3A_238 = tpu.memref_squeeze %dma_start3A_237 : memref<1x2x128xi32, #tpu.memory_space<hbm>> -> memref<2x128xi32, #tpu.memory_space<hbm>>
        %dma_start3A_239 = arith.constant 0 : i32
        %dma_start3A_240 = tpu.memref_slice %arg4[%add3A, %mul3A_229, %dma_start3A_239] : memref<32x80x128xi32, #tpu.memory_space<hbm>> -> memref<1x2x128xi32, #tpu.memory_space<hbm>>
        %dma_start3A_241 = tpu.memref_squeeze %dma_start3A_240 : memref<1x2x128xi32, #tpu.memory_space<hbm>> -> memref<2x128xi32, #tpu.memory_space<hbm>>
        tpu.enqueue_dma source(%dma_start3A_241 : memref<2x128xi32, #tpu.memory_space<hbm>>) target(%arg10 : memref<2x128xi32, #tpu.memory_space<vmem>>) target_semaphore(%arg15 : memref<!tpu.dma_semaphore, #tpu.memory_space<semaphore_mem>>)
      } else {
      }
    }
    %scan3A_78 = arith.constant 20 : i32
    %barrier3A_79 = arith.constant 0 : index
    tpu.barrier barrier_id(%barrier3A_79)
    "tpu.region"() ({
      %run_scoped3A = tpu.sem_alloc : memref<!tpu.dma_semaphore, #tpu.memory_space<semaphore_mem>>
      %dma_start3A_80 = arith.constant 0 : i32
      %dma_start3A_81 = arith.constant 0 : i32
      %dma_start3A_82 = tpu.memref_slice %arg6[%add3A, %dma_start3A_80, %dma_start3A_81] : memref<32x640x128xf32, #tpu.memory_space<hbm>> -> memref<1x640x128xf32, #tpu.memory_space<hbm>>
      %dma_start3A_83 = tpu.memref_squeeze %dma_start3A_82 : memref<1x640x128xf32, #tpu.memory_space<hbm>> -> memref<640x128xf32, #tpu.memory_space<hbm>>
      %dma_start3A_84 = arith.constant 0 : i32
      %dma_start3A_85 = tpu.memref_slice %arg13[%mul3A_2, %dma_start3A_84] : memref<10240x128xf32, #tpu.memory_space<vmem_shared>> -> memref<640x128xf32, #tpu.memory_space<vmem_shared>>
      tpu.enqueue_dma source(%dma_start3A_85 : memref<640x128xf32, #tpu.memory_space<vmem_shared>>) target(%dma_start3A_83 : memref<640x128xf32, #tpu.memory_space<hbm>>) target_semaphore(%run_scoped3A : memref<!tpu.dma_semaphore, #tpu.memory_space<semaphore_mem>>)
      %dma_wait3A_86 = arith.constant 0 : i32
      %dma_wait3A_87 = arith.constant 0 : i32
      %dma_wait3A_88 = tpu.memref_slice %arg6[%add3A, %dma_wait3A_86, %dma_wait3A_87] : memref<32x640x128xf32, #tpu.memory_space<hbm>> -> memref<1x640x128xf32, #tpu.memory_space<hbm>>
      %dma_wait3A_89 = tpu.memref_squeeze %dma_wait3A_88 : memref<1x640x128xf32, #tpu.memory_space<hbm>> -> memref<640x128xf32, #tpu.memory_space<hbm>>
      %dma_wait3A_90 = arith.constant 0 : i32
      %dma_wait3A_91 = tpu.memref_slice %arg13[%mul3A_2, %dma_wait3A_90] : memref<10240x128xf32, #tpu.memory_space<vmem_shared>> -> memref<640x128xf32, #tpu.memory_space<vmem_shared>>
      tpu.wait_dma2 semaphore(%run_scoped3A : memref<!tpu.dma_semaphore, #tpu.memory_space<semaphore_mem>>) src(%dma_wait3A_91 : memref<640x128xf32, #tpu.memory_space<vmem_shared>>) dst(%dma_wait3A_89 : memref<640x128xf32, #tpu.memory_space<hbm>>)
      tpu.yield
    }) : () -> ()
    return
  }
}

module attributes {stable_mosaic.version = 14 : i64} {
  func.func @_proj_body(%arg0: memref<10000x128xf32, #tpu.memory_space<vmem>>, %arg1: memref<128x128xf32, #tpu.memory_space<vmem>>, %arg2: memref<10240x2xf32, #tpu.memory_space<vmem>>, %arg3: memref<10240x128xf32, #tpu.memory_space<vmem>>) attributes {dimension_semantics = [], scalar_prefetch = 0 : i64, scratch_operands = 0 : i64, tpu.core_type = #tpu.core_type<tc>} {
    %get3A = arith.constant 0 : index
    %get3A_0 = arith.constant 0 : index
    %get3A_1 = vector.load %arg2[%get3A, %get3A_0] : memref<10240x2xf32, #tpu.memory_space<vmem>>, vector<10000x2xf32>
    %slice3A = vector.extract_strided_slice %get3A_1 {offsets = [0, 0], sizes = [10000, 1], strides = [1, 1]} : vector<10000x2xf32> to vector<10000x1xf32>
    %slice3A_2 = vector.extract_strided_slice %get3A_1 {offsets = [0, 1], sizes = [10000, 1], strides = [1, 1]} : vector<10000x2xf32> to vector<10000x1xf32>
    %add3A = arith.addf %slice3A, %slice3A_2 : vector<10000x1xf32>
    %add3A_3 = arith.constant 1.000000e+00 : f32
    %add3A_4 = vector.broadcast %add3A_3 : f32 to vector<10000x1xf32>
    %add3A_5 = arith.addf %add3A, %add3A_4 : vector<10000x1xf32>
    %rsqrt3A = math.rsqrt %add3A_5 : vector<10000x1xf32>
    %get3A_6 = arith.constant 0 : index
    %get3A_7 = arith.constant 0 : index
    %get3A_8 = vector.load %arg0[%get3A_6, %get3A_7] : memref<10000x128xf32, #tpu.memory_space<vmem>>, vector<10000x128xf32>
    %get3A_9 = arith.constant 0 : index
    %get3A_10 = arith.constant 0 : index
    %get3A_11 = vector.load %arg1[%get3A_9, %get3A_10] : memref<128x128xf32, #tpu.memory_space<vmem>>, vector<128x128xf32>
    %dot_general3A = arith.constant dense<0.000000e+00> : vector<10000x128xf32>
    %dot_general3A_12 = tpu.matmul %get3A_8, %get3A_11, %dot_general3A {dimension_numbers = #tpu.dot_dimension_numbers<[1], [0], [0], [1], [0, 0, 1, 1], [], []>, transpose_lhs_hint = false} : vector<10000x128xf32>, vector<128x128xf32>, vector<10000x128xf32> -> vector<10000x128xf32>
    %mul3A = vector.broadcast %rsqrt3A : vector<10000x1xf32> to vector<10000x128xf32>
    %mul3A_13 = arith.mulf %mul3A, %dot_general3A_12 : vector<10000x128xf32>
    %swap3A = arith.constant 0 : index
    %swap3A_14 = arith.constant 0 : index
    %swap3A_15 = vector.load %arg3[%swap3A, %swap3A_14] : memref<10240x128xf32, #tpu.memory_space<vmem>>, vector<10000x128xf32>
    tpu.vector_store %arg3[%swap3A, %swap3A_14], %mul3A_13 {strides = array<i32>} : memref<10240x128xf32, #tpu.memory_space<vmem>>, vector<10000x128xf32>,
    %broadcast_in_dim3A = arith.constant 0.000000e+00 : f32
    %broadcast_in_dim3A_16 = vector.broadcast %broadcast_in_dim3A : f32 to vector<240x128xf32>
    %swap3A_17 = arith.constant 10000 : index
    %swap3A_18 = arith.constant 0 : index
    %swap3A_19 = vector.load %arg3[%swap3A_17, %swap3A_18] : memref<10240x128xf32, #tpu.memory_space<vmem>>, vector<240x128xf32>
    tpu.vector_store %arg3[%swap3A_17, %swap3A_18], %broadcast_in_dim3A_16 {strides = array<i32>} : memref<10240x128xf32, #tpu.memory_space<vmem>>, vector<240x128xf32>,
    return
  }
}

module attributes {stable_mosaic.version = 14 : i64} {
  func.func @_final_body(%arg0: memref<32x640x128xf32, #tpu.memory_space<vmem>>, %arg1: memref<10000x2xf32, #tpu.memory_space<vmem>>, %arg2: memref<10000x128xf32, #tpu.memory_space<vmem>>) attributes {dimension_semantics = [], scalar_prefetch = 0 : i64, scratch_operands = 0 : i64, tpu.core_type = #tpu.core_type<tc>} {
    %get3A = arith.constant 0 : index
    %get3A_0 = arith.constant 0 : index
    %get3A_1 = vector.load %arg1[%get3A, %get3A_0] : memref<10000x2xf32, #tpu.memory_space<vmem>>, vector<10000x2xf32>
    %slice3A = vector.extract_strided_slice %get3A_1 {offsets = [0, 0], sizes = [10000, 1], strides = [1, 1]} : vector<10000x2xf32> to vector<10000x1xf32>
    %slice3A_2 = vector.extract_strided_slice %get3A_1 {offsets = [0, 1], sizes = [10000, 1], strides = [1, 1]} : vector<10000x2xf32> to vector<10000x1xf32>
    %add3A = arith.addf %slice3A, %slice3A_2 : vector<10000x1xf32>
    %add3A_3 = arith.constant 1.000000e+00 : f32
    %add3A_4 = vector.broadcast %add3A_3 : f32 to vector<10000x1xf32>
    %add3A_5 = arith.addf %add3A, %add3A_4 : vector<10000x1xf32>
    %rsqrt3A = math.rsqrt %add3A_5 : vector<10000x1xf32>
    %get3A_6 = arith.constant 0 : index
    %get3A_7 = arith.constant 0 : index
    %get3A_8 = arith.constant 0 : index
    %get3A_9 = vector.load %arg0[%get3A_6, %get3A_7, %get3A_8] : memref<32x640x128xf32, #tpu.memory_space<vmem>>, vector<32x640x128xf32>
    %reshape3A = vector.shape_cast %get3A_9 : vector<32x640x128xf32> to vector<2x10240x128xf32>
    %slice3A_10 = vector.extract_strided_slice %reshape3A {offsets = [0, 0, 0], sizes = [1, 10000, 128], strides = [1, 1, 1]} : vector<2x10240x128xf32> to vector<1x10000x128xf32>
    %squeeze3A = vector.shape_cast %slice3A_10 : vector<1x10000x128xf32> to vector<10000x128xf32>
    %slice3A_11 = vector.extract_strided_slice %reshape3A {offsets = [1, 0, 0], sizes = [1, 10000, 128], strides = [1, 1, 1]} : vector<2x10240x128xf32> to vector<1x10000x128xf32>
    %squeeze3A_12 = vector.shape_cast %slice3A_11 : vector<1x10000x128xf32> to vector<10000x128xf32>
    %add3A_13 = arith.addf %squeeze3A, %squeeze3A_12 : vector<10000x128xf32>
    %mul3A = vector.broadcast %rsqrt3A : vector<10000x1xf32> to vector<10000x128xf32>
    %mul3A_14 = arith.mulf %mul3A, %add3A_13 : vector<10000x128xf32>
    %swap3A = arith.constant 0 : index
    %swap3A_15 = arith.constant 0 : index
    %swap3A_16 = vector.load %arg2[%swap3A, %swap3A_15] : memref<10000x128xf32, #tpu.memory_space<vmem>>, vector<10000x128xf32>
    tpu.vector_store %arg2[%swap3A, %swap3A_15], %mul3A_14 {strides = array<i32>} : memref<10000x128xf32, #tpu.memory_space<vmem>>, vector<10000x128xf32>,
    return
  }
}

</mosaic_0001>

<sc_bundles>
// kernel: kernel.6.cloned.1.call-start
scs
__scs_entry_jumppad:
0x0: {  	(pc) =	sbr.rel $0x88, $3  }
0x1: {  	(tag) =	ssettag $0x0;
	lr =	simm.s32 $0x1  }
0x2: {  	[smem:$0x3F9E] =	sst lr;
	_ =	strace $0xD0000000  }
0x3: {  	_ = 	snop  }
0x4: {  	_ = 	snop  }
0x5: {  	_ = 	snop  }
0x6: {  	_ = 	snop  }
0x7: {  	_ = 	snop  }
__scs_overlays_trampoline_lowered:
0x8: {  	[smem:$0x3FAD] =	sst s0  }
0x9: {  	[smem:$0x3FAE] =	sst s1  }
0xa: {  	[smem:$0x3FAF] =	sst s2  }
0xb: {  	[smem:$0x3FB0] =	sst s3  }
0xc: {  	[smem:$0x3FB1] =	sst s4  }
0xd: {  	[smem:$0x3FB2] =	sst s5  }
0xe: {  	[smem:$0x3FB3] =	sst s6  }
0xf: {  	[smem:$0x3FB4] =	sst s7  }
0x10: {  	[smem:$0x3FB5] =	sst s8  }
0x11: {  	[smem:$0x3FB6] =	sst s9;
	s0 =	simm.s32 @!p0 $0x0  }
0x12: {  	s1 =	sld [smem:$0x3F9C];
	s0 =	simm.s32 @p0 $0x1  }
0x13: {  	[smem:$0x3FB7] =	sst s0;
	s0 =	simm.s32 @!p1 $0x0  }
0x14: {  	s2 =	sld [smem:$0x3F9B];
	s0 =	simm.s32 @p1 $0x1  }
0x15: {  	[smem:$0x3FB8] =	sst s0;
	s0 =	simm.s32 @!p2 $0x0  }
0x16: {  	s3 =	sld [smem:$0x3FDB];
	s0 =	simm.s32 @p2 $0x1  }
0x17: {  	s4 =	simm.s32 $0x1BF5;
	[smem:$0x3FBA] =	sst s0  }
0x18: {  	s0 =	sld [smem:$0x3F9D];
	_ =	swait.ge [sflag:s4], $0x0  }
0x19: {  	s7 =	sld [smem:$0x3F9E]  }
0x1a: {  	s8 =	sadd.s32 $0xFFFFE003, lr  }
0x1b: {  	s9 =	sadd.s32 $0xFFFFFEF7, lr;
	s5 =	simm.s32 $0xFFFFFFFF;
	p2 =	slt.u32 s8, $0xFFFFF086  }
0x1c: {  	p1 =	slt.u32 s9, $0xF7A;
	s5 =	simm.s32 @!p2 $0x0  }
0x1d: {  	s5 =	simm.s32 @p1 $0x1;
	p0 =	seq.s32 s7, s2  }
0x1e: {  	s7 =	smul.u32 @!p0 $0xF7A, s2;
	p2 =	seq.s32 @!p0 s5, $0x0  }
0x1f: {  	s9 =	smul.u32 $0xF7A, s1;
	s8 =	simm.s32 @!p0 $0x1BF5;
	p2 =	por !p2, p0  }
0x20: {  	[sflag:s8] =	ssyncset.s32 @!p0 $0xFFFFF086;
	s6 =	sadd.s32 @!p0 s3, s7;
	s7 =	simm.s32 @!p0 $0x108  }
0x21: {  	s3 =	sadd.s32 s3, s9;
	s6 =	sadd.s32 @!p0 $0x88, s6;
	s7 =	simm.s32 @p2 $0x1082  }
0x22: {  	[simem:s7], [sflag:s8] =	dma.local @!p0 [hbm:s6], $0xF7A  }
0x23: {  	s9 =	sor.u32 $0xD0000000, s2;
	s6 =	simm.s32 $0x108;
	_ =	swait.ge @!p0 [sflag:s8], $0x0  }
0x24: {  	s3 =	sadd.s32 $0x88, s3;
	s6 =	simm.s32 @!p1 $0x1082;
	[sflag:s4] =	ssyncset.s32 $0xFFFFF086  }
0x25: {  	[simem:s6], [sflag:s4] =	dma.local [hbm:s3], $0xF7A  }
0x26: {  	[smem:$0x3F9E] =	sst s1;
	(tag) =	ssettag s2;
	_ =	strace s9  }
0x27: {  	s1 =	sld [smem:$0x3FAE]  }
0x28: {  	s2 =	sld [smem:$0x3FAF]  }
0x29: {  	s4 =	sld [smem:$0x3FB1]  }
0x2a: {  	p0 =	seq.s32 s5, $0x0;
	s5 =	sld [smem:$0x3FB2]  }
0x2b: {  	s6 =	sld [smem:$0x3FB3]  }
0x2c: {  	s7 =	sld [smem:$0x3FB4]  }
0x2d: {  	s3 =	simm.s32 $0x108;
	s8 =	sld [smem:$0x3FB5]  }
0x2e: {  	s3 =	simm.s32 @!p0 $0x1082;
	s9 =	sld [smem:$0x3FB6]  }
0x2f: {  	lr =	sadd.s32 s0, s3;
	s0 =	sld [smem:$0x3FAD]  }
0x30: {  	s3 =	sld [smem:$0x3FB0]  }
0x31: {  	[smem:$0x3FB9] =	sst s10  }
0x32: {  	s10 =	sld [smem:$0x3FB7];
	_ =	sdelay $0x3  }
0x33: {  	p0 =	seq.s32 s10, $0x1;
	s10 =	sld [smem:$0x3FB9];
	_ =	sdelay $0x3  }
0x34: {  	[smem:$0x3FB9] =	sst s10  }
0x35: {  	s10 =	sld [smem:$0x3FB8];
	_ =	sdelay $0x3  }
0x36: {  	p1 =	seq.s32 s10, $0x1;
	s10 =	sld [smem:$0x3FB9];
	_ =	sdelay $0x3  }
0x37: {  	[smem:$0x3FB9] =	sst s10  }
0x38: {  	s10 =	sld [smem:$0x3FBA]  }
0x39: {  	_ = 	snop;
	(pc) =	sbr.ind lr, $3  }
0x3a: {  	_ = 	snop  }
0x3b: {  	_ = 	snop  }
0x3c: {  	p2 =	seq.s32 s10, $0x1;
	s10 =	sld [smem:$0x3FB9]  }
0x3d: {  	_ =	shalt  }
0x3e: {  	_ =	shalt  }
0x3f: {  	_ =	shalt  }
0x40: {  	_ =	shalt  }
0x41: {  	_ =	shalt  }
0x42: {  	_ =	shalt  }
0x43: {  	_ =	shalt  }
0x44: {  	_ =	shalt  }
0x45: {  	_ =	shalt  }
0x46: {  	_ =	shalt  }
0x47: {  	_ =	shalt  }
0x48: {  	_ =	shalt  }
0x49: {  	_ =	shalt  }
0x4a: {  	_ =	shalt  }
0x4b: {  	_ =	shalt  }
0x4c: {  	_ =	shalt  }
0x4d: {  	_ =	shalt  }
0x4e: {  	_ =	shalt  }
0x4f: {  	_ =	shalt  }
0x50: {  	_ =	shalt  }
0x51: {  	_ =	shalt  }
0x52: {  	_ =	shalt  }
0x53: {  	_ =	shalt  }
0x54: {  	_ =	shalt  }
0x55: {  	_ =	shalt  }
0x56: {  	_ =	shalt  }
0x57: {  	_ =	shalt  }
0x58: {  	_ =	shalt  }
0x59: {  	_ =	shalt  }
0x5a: {  	_ =	shalt  }
0x5b: {  	_ =	shalt  }
0x5c: {  	_ =	shalt  }
0x5d: {  	_ =	shalt  }
0x5e: {  	_ =	shalt  }
0x5f: {  	_ =	shalt  }
0x60: {  	_ =	shalt  }
0x61: {  	_ =	shalt  }
0x62: {  	_ =	shalt  }
0x63: {  	_ =	shalt  }
0x64: {  	_ =	shalt  }
0x65: {  	_ =	shalt  }
0x66: {  	_ =	shalt  }
0x67: {  	_ =	shalt  }
0x68: {  	_ =	shalt  }
0x69: {  	_ =	shalt  }
0x6a: {  	_ =	shalt  }
0x6b: {  	_ =	shalt  }
0x6c: {  	_ =	shalt  }
0x6d: {  	_ =	shalt  }
0x6e: {  	_ =	shalt  }
0x6f: {  	_ =	shalt  }
0x70: {  	_ =	shalt  }
0x71: {  	_ =	shalt  }
0x72: {  	_ =	shalt  }
0x73: {  	_ =	shalt  }
0x74: {  	_ =	shalt  }
0x75: {  	_ =	shalt  }
0x76: {  	_ =	shalt  }
0x77: {  	_ =	shalt  }
0x78: {  	_ =	shalt  }
0x79: {  	_ =	shalt  }
0x7a: {  	_ =	shalt  }
0x7b: {  	_ =	shalt  }
0x7c: {  	_ =	shalt  }
0x7d: {  	_ =	shalt  }
0x7e: {  	_ =	shalt  }
0x7f: {  	_ =	shalt  }
0x80: {  	_ =	shalt  }
0x81: {  	_ =	shalt  }
0x82: {  	_ =	shalt  }
0x83: {  	_ =	shalt  }
0x84: {  	_ =	shalt  }
0x85: {  	_ =	shalt  }
0x86: {  	_ =	shalt  }
0x87: {  	_ =	shalt  }
.Lfunc_end0:
.L_simem_size_0:
called_computation_lowered:
.L_overlay_start_0:
0x88: {  	s2 =	sld [smem:$0x3FD9]  }
0x89: {  	s3 =	sld [smem:$0x3FFE];
	_ =	sdelay $0x1  }
0x8a: {  	s1 =	srdreg.scid  }
0x8b: {  	s0 =	sand.u32 $0x1, s1  }
0x8c: {  	s16 =	sshll.u32 s0, $0xA;
	s2 =	sadd.s32 s3, s2  }
0x8d: {  	s2 =	sadd.s32 s2, s16  }
0x8e: {  	[smem:$0x3FC5] =	sst s2  }
0x8f: {  	_ = 	snop  }
0x90: {  	(tm) =	ssettm $0x1  }
0x91: {  	s17 =	sld [smem:$0x3FFB];
	_ =	sdelay $0x3  }
0x92: {  	_ =	strace s17  }
0x93: {  	s2 =	sld [smem:$0x3FFC];
	_ =	sdelay $0x3  }
0x94: {  	_ =	strace s2  }
0x95: {  	s2 =	sld [smem:$0x3FFD];
	_ =	sdelay $0x3  }
0x96: {  	_ =	strace s2  }
0x97: {  	_ =	strace $0x8FFFFFFF  }
0x98: {  	s18 =	sld [smem:$0x3FDB];
	_ =	sdelay $0x1  }
0x99: {  	s19 =	simm.s32 $_scs_section_size  }
0x9a: {  	s4 =	simm.s32 $_size__tile_overlayer_lowered;
	s5 =	simm.s32 $_tile_overlayer_lowered  }
0x9b: {  	s22 =	simm.s32 $0x1BFF;
	s21 =	sshll.u32 s5, $0x1;
	s2 =	sadd.s32 s19, s18  }
0x9c: {  	s6 =	simm.s32 $0x0;
	s20 =	sshll.u32 s4, $0x1;
	s4 =	sadd.s32 s21, s2  }
0x9d: {  	[timem:s6], [sflag:s22] =	dma.local [hbm:s4], s20  }
0x9e: {  	_ =	swait.ge [sflag:s22], s20  }
0x9f: {  	s3 =	ssub.s32 $0x0, s20;
	[sflag:s22] =	ssyncset.done $0x0  }
0xa0: {  	[sflag:s22] =	ssyncadd.s32 s3;
	_ =	sdelay $0x1  }
0xa1: {  	s23 =	simm.s32 $0x1B8B  }
0xa2: {  	_ =	swait.ge [sflag:s23], $0x1  }
0xa3: {  	[sflag:s23] =	ssyncset.done $0x0  }
0xa4: {  	s25 =	simm.s32 $0x1B8E;
	s24 =	sld [smem:$0x3FFE];
	[sflag:s23] =	ssyncadd.s32 $0xFFFFFFFF  }
0xa5: {  	s26 =	simm.s32 $execute0_lowered;
	[smem:$0x3FD2] =	sst s25  }
0xa6: {  	s4 =	sshll.u32 s26, $0x1;
	_ =	strace $0x80000046;
	[dreg:$0x1] =	wrdreg $0xFFFFFFFF  }
0xa7: {  	s28 =	simm.s32 $_size_execute0_lowered;
	s2 =	sadd.s32 s2, s4;
	[dreg:$0x0] =	wrdreg $0x0  }
0xa8: {  	s4 =	sshll.u32 s28, $0x1;
	[dreg:$0x2] =	wrdreg s2  }
0xa9: {  	[dreg:$0x3] =	wrdreg s4  }
0xaa: {  	[dreg:$0x4] =	wrdreg $0xC0  }
0xab: {  	_ =	task [dreg:s6], $0x5FFFF  }
0xac: {  	[dreg:$0x1] =	wrdreg $0xFFFFFFFF  }
0xad: {  	[dreg:$0x0] =	wrdreg $0x60  }
0xae: {  	[dreg:$0x2] =	wrdreg s24  }
0xaf: {  	[dreg:$0x3] =	wrdreg $0x28800  }
0xb0: {  	[dreg:$0x4] =	wrdreg $0x9  }
0xb1: {  	_ =	task.clear_ibuf [dreg:s6], $0x5FFFF;
	_ =	strace $0x90000046  }
0xb2: {  	s29 =	simm.s32 $0x9;
	_ =	strace $0x80000048  }
0xb3: {  	_ =	swait.ge [sflag:s29], $0x1  }
0xb4: {  	[sflag:s29] =	ssyncadd.s32 $0xFFFFFFFF  }
0xb5: {  	_ =	strace $0x90000048  }
0xb6: {  	_ =	sfence  }
0xb7: {  	s30 =	sld [smem:$0x0];
	_ =	sdelay $0x2  }
0xb8: {  	s31 =	sshll.u32 s1, $0xD;
	s1 =	sshrl.u32 s1, $0x2  }
0xb9: {  	s3 =	sand.u32 $0x4000, s31;
	s1 =	sadd.s32 s1, s30  }
0xba: {  	s0 =	sor.u32 s3, s0;
	s1 =	sshll.u32 s1, $0x11  }
0xbb: {  	s0 =	sor.u32 s1, s0  }
0xbc: {  	s0 =	sadd.s32 $0x8F2B, s0  }
0xbd: {  	[sflag:s0] =	ssyncadd.remote.s32 $0x1  }
0xbe: {  	_ =	sfence.sel $0xFFFF  }
0xbf: {  	[dreg:$0x0] =	wrdreg $0xFFFFFFFF;
	(pc) =	sbr.abs _section_cstart, $3  }
0xc0: {  	[dreg:$0x1] =	wrdreg $0xFFFFFFFF  }
0xc1: {  	_ =	task.clear_ibuf [dreg:s6], $0x2FFFF;
	_ =	strace $0x9FFFFFFF  }
0xc2: {  	(tm) =	ssettm $0x7FFFFFFF  }
0xc3: {  	_ =	shalt  }
tec
execute0_lowered:
.L_overlay_start_1:
0x0: {  	(tag) =	ssettag $0x1  }
0x1: {  	s5 =	rddreg [dreg:$0x0]  }
0x2: {  	s0 =	srdreg.scid;
	s2 =	rddreg [dreg:$0x1];
	s11 =	simm.s32 $0x80  }
0x3: {  	s12 =	simm.s32 $0x2800;
	s13 =	simm.s32 $0x1;
	s14 =	simm.s32 $0x10  }
0x4: {  	s15 =	simm.s32 $0x0;
	s4 =	sand.u32 $0x1, s0;
	s0 =	stileid.u32  }
0x5: {  	s1 =	sshll.u32 s4, $0x4;
	s8 =	sshll.u32 s0, $0x7;
	s9 =	smul.u32 $0x280, s0  }
0x6: {  	s4 =	ssub.s32 $0x2, s4;
	s31 =	sshll.u32 s0, $0x6;
	s3 =	sor.u32 s0, s1  }
0x7: {  	s1 =	rddreg [dreg:$0x2];
	s8 =	sand.u32 $0x380, s8;
	s30 =	sshrl.u32 s4, $0x1  }
0x8: {  	s6 =	smul.u32 $0x500, s3;
	s7 =	sshrl.u32 s3, $0x3;
	s3 =	simm.s32 $0x0  }
0x9: {  	s29 =	sshrl.u32 s9, $0x3;
	s9 =	sadd.s32 s9, s2;
	s7 =	smul.u32 $0x1400, s7  }
0xa: {  	s10 =	ssub.s32 s4, s30;
	[smem:$0x7FF] =	sst s3;
	s9 =	sshrl.u32 s9, $0x3  }
0xb: {  	_ =	strace $0x80000047;
	s6 =	sadd.s32 s6, s5;
	s7 =	sor.u32 s8, s7  }
0xc: {  	s8 =	sadd.s32 s29, s5;
	s6 =	sadd.s32 $0x1000, s6;
	s7 =	sshrl.u32 s7, $0x3  }
0xd: {  	s4 =	sadd.s32 $0xB000, s8;
	s8 =	smax.u32 s10, $0x1;
	s7 =	sadd.s32 s7, s5  }
0xe: {  	v0 =	vimm.f32 $1.000000000e+00;
	s10 =	simm.s32 $0x2;
	s5 =	sor.u32 $0x1C02, s31;
	s7 =	sadd.s32 $0xB600, s7  }
.LBB2_1:
0xf: {  	[spmem:s9], [sflag:s5] =	dma.local [hbm:s4], $0x50  }
0x10: {  	_ =	swait.ge [sflag:s10], $0x50  }
0x11: {  	[sflag:s10] =	ssyncset.done $0x0  }
0x12: {  	[sflag:s10] =	ssyncadd.s32 $0xFFFFFFB0  }
0x13: {  	[tilespmem:$0x2800] =	vst v0  }
0x14: {  	[tilespmem:$0x2810] =	vst v0  }
0x15: {  	[tilespmem:$0x2820] =	vst v0  }
0x16: {  	[tilespmem:$0x2830] =	vst v0  }
0x17: {  	[tilespmem:$0x2840] =	vst v0  }
0x18: {  	[tilespmem:$0x2850] =	vst v0  }
0x19: {  	[tilespmem:$0x2860] =	vst v0  }
0x1a: {  	[tilespmem:$0x2870] =	vst v0  }
0x1b: {  	[tilespmem:s3], [sflag:$0x2] =	stream.linear.gather [hbm4b:s6+s3], $0x2800, $0x38;
	[tilespmem:$0x2B00] =	vst v63  }
0x1c: {  	_ =	swait.ge [sflag:s10], $0x2800  }
0x1d: {  	[sflag:s10] =	ssyncset.done $0x0  }
0x1e: {  	[sflag:s10] =	ssyncadd.s32 $0xFFFFD800  }
0x1f: {  	s16 =	simm.s32 $0x0;
	[bflag:$0x0] =	sbarrier.arrive $0xFFFF  }
.LBB2_2:
0x20: {  	p0 =	sne.s32 s16, $0x9E00  }
.Ltmp0:
0x21: {  	_ = 	snop;
	(pc) =	sbr.rel @p0 .LBB2_2-.Ltmp0, $3  }
0x22: {  	_ =	sdelay $0x1  }
0x23: {  	s17 =	sshra.s32 s16, $0x2;
	s16 =	sadd.s32 $0x200, s16  }
0x24: {  	[spmem:s2] =	stream.indirect.scatter.add.f32 [tilespmem:s12], [sflag:$0x1], $0x1, s17, s11, $0xb8;
	[tilespmem:$0x2B00] =	vst v63  }
0x25: {  	_ =	swait.ge [sflag:s13], $0x80  }
0x26: {  	s16 =	simm.s32 $0x4F;
	[sflag:s13] =	ssyncset.done $0x0  }
.LBB2_4:
0x27: {  	p0 =	sne.s32 s16, $0x1;
	s16 =	sadd.s32 $0xFFFFFFFF, s16;
	[sflag:s13] =	ssyncadd.s32 $0xFFFFFF80  }
.Ltmp1:
0x28: {  	(pc) =	sbr.rel @p0 .LBB2_4-.Ltmp1, $3  }
0x29: {  	_ =	sdelay $0x1  }
0x2a: {  	_ =	swait.ge [sflag:s13], $0x80  }
0x2b: {  	[sflag:s13] =	ssyncset.done $0x0  }
0x2c: {  	s15 =	sadd.s32 $0x1, s15  }
0x2d: {  	[sflag:s13] =	ssyncadd.s32 $0xFFFFFF80;
	p0 =	sne.s32 s15, s8  }
.Ltmp2:
0x2e: {  	[bflag:$0x0] =	sbarrier.arrive $0xFFFF;
	(pc) =	sbr.rel @p0 .LBB2_1-.Ltmp2, $4  }
0x2f: {  	[hbm:s7@s11], [sflag:s5] =	dma.strided [spmem:s9@s14], $0x50, s13, $0x10   }
0x30: {  	_ =	swait.ge [sflag:s10], $0x50  }
0x31: {  	[sflag:s10] =	ssyncset.done $0x0  }
0x32: {  	[sflag:s10] =	ssyncadd.s32 $0xFFFFFFB0  }
0x33: {  	_ =	sfence.sel $0x180000  }
0x34: {  	[bflag:$0x0] =	sbarrier.arrive $0xFFFF  }
0x35: {  	p0 =	sne.s32 s0, $0x0;
	_ =	strace $0x90000047  }
0x36: {  	s0 =	sadd.s32 @!p0 $0x100000, s1;
	[bflag:$0x2] =	sbarrier.arrive $0xFFFF  }
0x37: {  	[sflag:s0] =	ssyncadd.tile.s32 @!p0 $0x1;
	_ =	shalt  }
.Lfunc_end2:
_tile_overlayer_lowered:
.L_overlay_start_2:
0x38: {  	(tag) =	ssettag $0x2  }
0x39: {  	s0 =	rddreg [dreg:$0x0];
	s2 =	stileid.u32  }
0x3a: {  	s1 =	rddreg [dreg:$0x1];
	p0 =	sne.s32 s2, $0x0  }
0x3b: {  	s3 =	rddreg [dreg:$0x2];
	[bflag:$0x3] =	sbarrier.arrive $0xFFFF;
	s2 =	simm.s32 @!p0 $0x1C02  }
0x3c: {  	[timem:s3], [sflag:s2] =	dma.local @!p0 [hbm:s0], s1  }
0x3d: {  	s0 =	simm.s32 @!p0 $0x2  }
0x3e: {  	_ =	swait.ge @!p0 [sflag:s0], s1  }
0x3f: {  	s1 =	ssub.s32 @!p0 $0x0, s1;
	[sflag:s0] =	ssyncset.done @!p0 $0x0  }
0x40: {  	[sflag:s0] =	ssyncadd.s32 @!p0 s1  }
0x41: {  	[bflag:$0x3] =	sbarrier.arrive $0xFFFF  }
0x42: {  	_ =	shalt  }

// kernel: kernel.9.cloned.1.call-start
scs
__scs_entry_jumppad:
0x0: {  	(pc) =	sbr.rel $0x88, $3  }
0x1: {  	(tag) =	ssettag $0x0;
	lr =	simm.s32 $0x1  }
0x2: {  	[smem:$0x3F9E] =	sst lr;
	_ =	strace $0xD0000000  }
0x3: {  	_ = 	snop  }
0x4: {  	_ = 	snop  }
0x5: {  	_ = 	snop  }
0x6: {  	_ = 	snop  }
0x7: {  	_ = 	snop  }
__scs_overlays_trampoline_lowered:
0x8: {  	[smem:$0x3FAD] =	sst s0  }
0x9: {  	[smem:$0x3FAE] =	sst s1  }
0xa: {  	[smem:$0x3FAF] =	sst s2  }
0xb: {  	[smem:$0x3FB0] =	sst s3  }
0xc: {  	[smem:$0x3FB1] =	sst s4  }
0xd: {  	[smem:$0x3FB2] =	sst s5  }
0xe: {  	[smem:$0x3FB3] =	sst s6  }
0xf: {  	[smem:$0x3FB4] =	sst s7  }
0x10: {  	[smem:$0x3FB5] =	sst s8  }
0x11: {  	[smem:$0x3FB6] =	sst s9;
	s0 =	simm.s32 @!p0 $0x0  }
0x12: {  	s1 =	sld [smem:$0x3F9C];
	s0 =	simm.s32 @p0 $0x1  }
0x13: {  	[smem:$0x3FB7] =	sst s0;
	s0 =	simm.s32 @!p1 $0x0  }
0x14: {  	s2 =	sld [smem:$0x3F9B];
	s0 =	simm.s32 @p1 $0x1  }
0x15: {  	[smem:$0x3FB8] =	sst s0;
	s0 =	simm.s32 @!p2 $0x0  }
0x16: {  	s3 =	sld [smem:$0x3FDB];
	s0 =	simm.s32 @p2 $0x1  }
0x17: {  	s4 =	simm.s32 $0x1BF5;
	[smem:$0x3FBA] =	sst s0  }
0x18: {  	s0 =	sld [smem:$0x3F9D];
	_ =	swait.ge [sflag:s4], $0x0  }
0x19: {  	s7 =	sld [smem:$0x3F9E]  }
0x1a: {  	s8 =	sadd.s32 $0xFFFFE003, lr  }
0x1b: {  	s9 =	sadd.s32 $0xFFFFFEF7, lr;
	s5 =	simm.s32 $0xFFFFFFFF;
	p2 =	slt.u32 s8, $0xFFFFF086  }
0x1c: {  	p1 =	slt.u32 s9, $0xF7A;
	s5 =	simm.s32 @!p2 $0x0  }
0x1d: {  	s5 =	simm.s32 @p1 $0x1;
	p0 =	seq.s32 s7, s2  }
0x1e: {  	s7 =	smul.u32 @!p0 $0xF7A, s2;
	p2 =	seq.s32 @!p0 s5, $0x0  }
0x1f: {  	s9 =	smul.u32 $0xF7A, s1;
	s8 =	simm.s32 @!p0 $0x1BF5;
	p2 =	por !p2, p0  }
0x20: {  	[sflag:s8] =	ssyncset.s32 @!p0 $0xFFFFF086;
	s6 =	sadd.s32 @!p0 s3, s7;
	s7 =	simm.s32 @!p0 $0x108  }
0x21: {  	s3 =	sadd.s32 s3, s9;
	s6 =	sadd.s32 @!p0 $0x88, s6;
	s7 =	simm.s32 @p2 $0x1082  }
0x22: {  	[simem:s7], [sflag:s8] =	dma.local @!p0 [hbm:s6], $0xF7A  }
0x23: {  	s9 =	sor.u32 $0xD0000000, s2;
	s6 =	simm.s32 $0x108;
	_ =	swait.ge @!p0 [sflag:s8], $0x0  }
0x24: {  	s3 =	sadd.s32 $0x88, s3;
	s6 =	simm.s32 @!p1 $0x1082;
	[sflag:s4] =	ssyncset.s32 $0xFFFFF086  }
0x25: {  	[simem:s6], [sflag:s4] =	dma.local [hbm:s3], $0xF7A  }
0x26: {  	[smem:$0x3F9E] =	sst s1;
	(tag) =	ssettag s2;
	_ =	strace s9  }
0x27: {  	s1 =	sld [smem:$0x3FAE]  }
0x28: {  	s2 =	sld [smem:$0x3FAF]  }
0x29: {  	s4 =	sld [smem:$0x3FB1]  }
0x2a: {  	p0 =	seq.s32 s5, $0x0;
	s5 =	sld [smem:$0x3FB2]  }
0x2b: {  	s6 =	sld [smem:$0x3FB3]  }
0x2c: {  	s7 =	sld [smem:$0x3FB4]  }
0x2d: {  	s3 =	simm.s32 $0x108;
	s8 =	sld [smem:$0x3FB5]  }
0x2e: {  	s3 =	simm.s32 @!p0 $0x1082;
	s9 =	sld [smem:$0x3FB6]  }
0x2f: {  	lr =	sadd.s32 s0, s3;
	s0 =	sld [smem:$0x3FAD]  }
0x30: {  	s3 =	sld [smem:$0x3FB0]  }
0x31: {  	[smem:$0x3FB9] =	sst s10  }
0x32: {  	s10 =	sld [smem:$0x3FB7];
	_ =	sdelay $0x3  }
0x33: {  	p0 =	seq.s32 s10, $0x1;
	s10 =	sld [smem:$0x3FB9];
	_ =	sdelay $0x3  }
0x34: {  	[smem:$0x3FB9] =	sst s10  }
0x35: {  	s10 =	sld [smem:$0x3FB8];
	_ =	sdelay $0x3  }
0x36: {  	p1 =	seq.s32 s10, $0x1;
	s10 =	sld [smem:$0x3FB9];
	_ =	sdelay $0x3  }
0x37: {  	[smem:$0x3FB9] =	sst s10  }
0x38: {  	s10 =	sld [smem:$0x3FBA]  }
0x39: {  	_ = 	snop;
	(pc) =	sbr.ind lr, $3  }
0x3a: {  	_ = 	snop  }
0x3b: {  	_ = 	snop  }
0x3c: {  	p2 =	seq.s32 s10, $0x1;
	s10 =	sld [smem:$0x3FB9]  }
0x3d: {  	_ =	shalt  }
0x3e: {  	_ =	shalt  }
0x3f: {  	_ =	shalt  }
0x40: {  	_ =	shalt  }
0x41: {  	_ =	shalt  }
0x42: {  	_ =	shalt  }
0x43: {  	_ =	shalt  }
0x44: {  	_ =	shalt  }
0x45: {  	_ =	shalt  }
0x46: {  	_ =	shalt  }
0x47: {  	_ =	shalt  }
0x48: {  	_ =	shalt  }
0x49: {  	_ =	shalt  }
0x4a: {  	_ =	shalt  }
0x4b: {  	_ =	shalt  }
0x4c: {  	_ =	shalt  }
0x4d: {  	_ =	shalt  }
0x4e: {  	_ =	shalt  }
0x4f: {  	_ =	shalt  }
0x50: {  	_ =	shalt  }
0x51: {  	_ =	shalt  }
0x52: {  	_ =	shalt  }
0x53: {  	_ =	shalt  }
0x54: {  	_ =	shalt  }
0x55: {  	_ =	shalt  }
0x56: {  	_ =	shalt  }
0x57: {  	_ =	shalt  }
0x58: {  	_ =	shalt  }
0x59: {  	_ =	shalt  }
0x5a: {  	_ =	shalt  }
0x5b: {  	_ =	shalt  }
0x5c: {  	_ =	shalt  }
0x5d: {  	_ =	shalt  }
0x5e: {  	_ =	shalt  }
0x5f: {  	_ =	shalt  }
0x60: {  	_ =	shalt  }
0x61: {  	_ =	shalt  }
0x62: {  	_ =	shalt  }
0x63: {  	_ =	shalt  }
0x64: {  	_ =	shalt  }
0x65: {  	_ =	shalt  }
0x66: {  	_ =	shalt  }
0x67: {  	_ =	shalt  }
0x68: {  	_ =	shalt  }
0x69: {  	_ =	shalt  }
0x6a: {  	_ =	shalt  }
0x6b: {  	_ =	shalt  }
0x6c: {  	_ =	shalt  }
0x6d: {  	_ =	shalt  }
0x6e: {  	_ =	shalt  }
0x6f: {  	_ =	shalt  }
0x70: {  	_ =	shalt  }
0x71: {  	_ =	shalt  }
0x72: {  	_ =	shalt  }
0x73: {  	_ =	shalt  }
0x74: {  	_ =	shalt  }
0x75: {  	_ =	shalt  }
0x76: {  	_ =	shalt  }
0x77: {  	_ =	shalt  }
0x78: {  	_ =	shalt  }
0x79: {  	_ =	shalt  }
0x7a: {  	_ =	shalt  }
0x7b: {  	_ =	shalt  }
0x7c: {  	_ =	shalt  }
0x7d: {  	_ =	shalt  }
0x7e: {  	_ =	shalt  }
0x7f: {  	_ =	shalt  }
0x80: {  	_ =	shalt  }
0x81: {  	_ =	shalt  }
0x82: {  	_ =	shalt  }
0x83: {  	_ =	shalt  }
0x84: {  	_ =	shalt  }
0x85: {  	_ =	shalt  }
0x86: {  	_ =	shalt  }
0x87: {  	_ =	shalt  }
.Lfunc_end0:
.L_simem_size_0:
called_computation.1_lowered:
.L_overlay_start_0:
0x88: {  	s2 =	sld [smem:$0x3FD9]  }
0x89: {  	s3 =	sld [smem:$0x3FFE];
	_ =	sdelay $0x1  }
0x8a: {  	s1 =	srdreg.scid  }
0x8b: {  	s0 =	sand.u32 $0x1, s1  }
0x8c: {  	s17 =	sshll.u32 s0, $0xA;
	s2 =	sadd.s32 s3, s2  }
0x8d: {  	s2 =	sadd.s32 s2, s17  }
0x8e: {  	[smem:$0x3FC5] =	sst s2  }
0x8f: {  	_ = 	snop  }
0x90: {  	s2 =	sld [smem:$0x3FD0];
	(tm) =	ssettm $0x1  }
0x91: {  	s18 =	sld [smem:$0x3FFB];
	_ =	sdelay $0x3  }
0x92: {  	_ =	strace s18  }
0x93: {  	s3 =	sld [smem:$0x3FFC];
	_ =	sdelay $0x3  }
0x94: {  	_ =	strace s3  }
0x95: {  	s3 =	sld [smem:$0x3FFD];
	_ =	sdelay $0x3  }
0x96: {  	_ =	strace s3  }
0x97: {  	_ =	strace $0x8FFFFFFF  }
0x98: {  	s19 =	sld [smem:$0x3FDB];
	_ =	sdelay $0x1  }
0x99: {  	s4 =	simm.s32 $_scs_section_size  }
0x9a: {  	s5 =	simm.s32 $_size__tile_overlayer_lowered;
	s6 =	simm.s32 $_tile_overlayer_lowered  }
0x9b: {  	s22 =	simm.s32 $0x1BFF;
	s21 =	sshll.u32 s6, $0x1;
	s3 =	sadd.s32 s4, s19  }
0x9c: {  	s7 =	simm.s32 $0x0;
	s20 =	sshll.u32 s5, $0x1;
	s5 =	sadd.s32 s21, s3  }
0x9d: {  	[timem:s7], [sflag:s22] =	dma.local [hbm:s5], s20  }
0x9e: {  	_ =	swait.ge [sflag:s22], s20  }
0x9f: {  	s4 =	ssub.s32 $0x0, s20;
	[sflag:s22] =	ssyncset.done $0x0  }
0xa0: {  	[sflag:s22] =	ssyncadd.s32 s4;
	_ =	sdelay $0x1  }
0xa1: {  	s23 =	simm.s32 $0x1B8B  }
0xa2: {  	_ =	swait.ge [sflag:s23], $0x1  }
0xa3: {  	[sflag:s23] =	ssyncset.done $0x0  }
0xa4: {  	s25 =	simm.s32 $0x1B8E;
	s24 =	sld [smem:$0x3FFE];
	[sflag:s23] =	ssyncadd.s32 $0xFFFFFFFF  }
0xa5: {  	s26 =	simm.s32 $execute0_lowered;
	[smem:$0x3FD2] =	sst s25  }
0xa6: {  	s5 =	sshll.u32 s26, $0x1;
	_ =	strace $0x80000049;
	[dreg:$0x1] =	wrdreg $0xFFFFFFFF  }
0xa7: {  	s28 =	simm.s32 $_size_execute0_lowered;
	s3 =	sadd.s32 s3, s5;
	[dreg:$0x0] =	wrdreg $0x0  }
0xa8: {  	s5 =	sshll.u32 s28, $0x1;
	[dreg:$0x2] =	wrdreg s3  }
0xa9: {  	[dreg:$0x3] =	wrdreg s5  }
0xaa: {  	[dreg:$0x4] =	wrdreg $0xC0  }
0xab: {  	_ =	task [dreg:s7], $0x5FFFF  }
0xac: {  	[dreg:$0x1] =	wrdreg $0xFFFFFFFF  }
0xad: {  	[dreg:$0x0] =	wrdreg $0x60  }
0xae: {  	[dreg:$0x2] =	wrdreg s24  }
0xaf: {  	[dreg:$0x3] =	wrdreg s2  }
0xb0: {  	[dreg:$0x4] =	wrdreg $0x84000  }
0xb1: {  	[dreg:$0x5] =	wrdreg $0x9  }
0xb2: {  	_ =	task.clear_ibuf [dreg:s7], $0x6FFFF;
	_ =	strace $0x90000049  }
0xb3: {  	s29 =	simm.s32 $0x9;
	_ =	strace $0x8000004B  }
0xb4: {  	_ =	swait.ge [sflag:s29], $0x1  }
0xb5: {  	[sflag:s29] =	ssyncadd.s32 $0xFFFFFFFF  }
0xb6: {  	_ =	strace $0x9000004B  }
0xb7: {  	_ =	sfence  }
0xb8: {  	s30 =	sld [smem:$0x0];
	_ =	sdelay $0x2  }
0xb9: {  	s31 =	sshll.u32 s1, $0xD;
	s1 =	sshrl.u32 s1, $0x2  }
0xba: {  	s3 =	sand.u32 $0x4000, s31;
	s1 =	sadd.s32 s1, s30  }
0xbb: {  	s0 =	sor.u32 s3, s0;
	s1 =	sshll.u32 s1, $0x11  }
0xbc: {  	s0 =	sor.u32 s1, s0  }
0xbd: {  	s0 =	sadd.s32 $0x8F2B, s0  }
0xbe: {  	[sflag:s0] =	ssyncadd.remote.s32 $0x1  }
0xbf: {  	_ =	sfence.sel $0xFFFF  }
0xc0: {  	[dreg:$0x0] =	wrdreg $0xFFFFFFFF;
	(pc) =	sbr.abs _section_cstart, $3  }
0xc1: {  	[dreg:$0x1] =	wrdreg $0xFFFFFFFF  }
0xc2: {  	_ =	task.clear_ibuf [dreg:s7], $0x2FFFF;
	_ =	strace $0x9FFFFFFF  }
0xc3: {  	(tm) =	ssettm $0x7FFFFFFF  }
tec
execute0_lowered:
.L_overlay_start_1:
0x0: {  	(tag) =	ssettag $0x1  }
0x1: {  	s0 =	rddreg [dreg:$0x0]  }
0x2: {  	s1 =	rddreg [dreg:$0x1]  }
0x3: {  	s2 =	rddreg [dreg:$0x2];
	s3 =	srdreg.scid;
	s4 =	simm.s32 $0x0  }
0x4: {  	s12 =	stileid.u32;
	s18 =	simm.s32 $0x200;
	s19 =	simm.s32 $0x1  }
0x5: {  	s20 =	simm.s32 $0x80;
	s28 =	simm.s32 $0x2;
	s29 =	simm.s32 $0x4  }
0x6: {  	s30 =	simm.s32 $0x280;
	s31 =	simm.s32 $0x6;
	s3 =	sand.u32 $0x1, s3  }
0x7: {  	[smem:$0x7FF] =	sst s4;
	s7 =	sadd.s32 $0x1000, s0;
	s9 =	smul.u32 $0x50000, s12  }
0x8: {  	s10 =	sadd.s32 $0x33000, s0;
	s22 =	smul.u32 $0x2800, s12;
	s14 =	sshll.u32 s12, $0x6  }
0x9: {  	s5 =	sshll.u32 s3, $0x4;
	_ =	strace $0x8000004A;
	s8 =	ssub.s32 $0x2, s3  }
0xa: {  	p0 =	seq.s32 s3, $0x1;
	s26 =	sor.u32 $0x1C07, s14;
	s6 =	sor.u32 s12, s5  }
0xb: {  	s5 =	sadd.s32 $0xB000, s0;
	s11 =	sshrl.u32 s8, $0x1;
	s21 =	sshrl.u32 s9, $0x2  }
0xc: {  	[dreg:$0xb] =	wrdreg s26;
	s26 =	simm.s32 $0x5;
	s9 =	simm.s32 $0x300  }
0xd: {  	s6 =	smul.u32 $0x2800, s6;
	s8 =	ssub.s32 s8, s11;
	s3 =	sadd.s32 s21, s2  }
0xe: {  	s21 =	simm.s32 $0x400;
	s8 =	smax.u32 s8, $0x1;
	s17 =	sshrl.u32 s3, $0x3  }
0xf: {  	s3 =	simm.s32 $0x380;
	s0 =	sadd.s32 s6, s0;
	s23 =	sshrl.u32 s6, $0x3  }
0x10: {  	[dreg:$0x9] =	wrdreg s8;
	s8 =	simm.s32 $0x8;
	s13 =	sadd.s32 s1, s23  }
0x11: {  	s24 =	sadd.s32 s7, s23;
	s11 =	sor.u32 $0x20, s23;
	[dreg:$0x4] =	wrdreg s13  }
0x12: {  	s0 =	sadd.s32 $0x5B000, s0;
	s23 =	simm.s32 $0x100;
	[dreg:$0x5] =	wrdreg s24  }
.Ltmp0:
0x13: {  	s25 =	sadd.s32 s1, s11;
	[dreg:$0x8] =	wrdreg s0;
	(pc) =	sbr.rel .LBB2_1-.Ltmp0, $4  }
0x14: {  	s11 =	sadd.s32 s7, s11;
	s0 =	smov.u32 s5;
	[dreg:$0x6] =	wrdreg s25  }
0x15: {  	s24 =	simm.s32 $0x7;
	[dreg:$0x7] =	wrdreg s11;
	s0 =	smov.u32 @p0 s10  }
0x16: {  	s25 =	simm.s32 $0x3;
	s10 =	simm.s32 $0x0;
	s0 =	sadd.s32 s0, s22  }
0x17: {  	s22 =	simm.s32 $0x4400;
	[dreg:$0xa] =	wrdreg s0;
	s0 =	simm.s32 $0x180  }
.LBB2_4:
0x18: {  	[bflag:$0x0] =	sbarrier.arrive $0xFFFF  }
0x19: {  	s11 =	sor.u32 $0x1C08, s14;
	s12 =	rddreg [dreg:$0x8]  }
0x1a: {  	[hbm:s12], [sflag:s11] =	dma.local [spmem:s17], $0x2800  }
0x1b: {  	_ =	swait.ge [sflag:s8], $0x2800  }
0x1c: {  	s10 =	sadd.s32 $0x1, s10;
	s16 =	rddreg [dreg:$0x9]  }
0x1d: {  	p0 =	sne.s32 s10, s16  }
.Ltmp1:
0x1e: {  	_ = 	snop;
	(pc) =	sbr.rel @!p0 .LBB2_5-.Ltmp1, $3  }
0x1f: {  	_ =	sdelay $0x1  }
0x20: {  	[sflag:s8] =	ssyncset.done $0x0  }
0x21: {  	[sflag:s8] =	ssyncadd.s32 $0xFFFFD800  }
.LBB2_1:
0x22: {  	s11 =	rddreg [dreg:$0xa]  }
0x23: {  	s12 =	rddreg [dreg:$0xb]  }
0x24: {  	[spmem:s17], [sflag:s12] =	dma.local [hbm:s11], $0x2800  }
0x25: {  	s11 =	rddreg [dreg:$0x4]  }
0x26: {  	[tilespmem:s4], [sflag:$0x1] =	stream.linear.gather [hbm4b:s11+s4], $0x100, $0x38;
	[tilespmem:$0x1C400] =	vst v63  }
0x27: {  	s13 =	rddreg [dreg:$0x5]  }
0x28: {  	[tilespmem:s18], [sflag:$0x1] =	stream.linear.gather [hbm4b:s13+s4], $0x100, $0x38;
	[tilespmem:$0x1C400] =	vst v63  }
0x29: {  	_ =	swait.ge [sflag:s19], $0x100  }
0x2a: {  	[sflag:s19] =	ssyncset.done $0x0  }
0x2b: {  	[sflag:s19] =	ssyncadd.s32 $0xFFFFFF00  }
0x2c: {  	_ =	swait.ge [sflag:s19], $0x100  }
0x2d: {  	[sflag:s19] =	ssyncset.done $0x0  }
0x2e: {  	[sflag:s19] =	ssyncadd.s32 $0xFFFFFF00  }
0x2f: {  	[tilespmem:s21], [sflag:$0x3] =	stream.indirect.gather [hbm4b:s5+s20], $0x80, s4, s20, $0xb8;
	[tilespmem:$0x1C400] =	vst v63  }
0x30: {  	_ = 	snop  }
0x31: {  	[tilespmem:s22], [sflag:$0x4] =	stream.indirect.gather [hbm4b:s5+s20], $0x80, s20, s20, $0xb8;
	[tilespmem:$0x1C400] =	vst v63  }
0x32: {  	s15 =	rddreg [dreg:$0x6]  }
0x33: {  	[tilespmem:s23], [sflag:$0x2] =	stream.linear.gather [hbm4b:s15+s4], $0x100, $0x38;
	[tilespmem:$0x1C400] =	vst v63  }
0x34: {  	s16 =	rddreg [dreg:$0x7]  }
0x35: {  	[tilespmem:s9], [sflag:$0x2] =	stream.linear.gather [hbm4b:s16+s4], $0x100, $0x38;
	[tilespmem:$0x1C400] =	vst v63  }
0x36: {  	_ =	swait.ge [sflag:s24], $0x2800  }
0x37: {  	[sflag:s24] =	ssyncset.done $0x0  }
0x38: {  	[sflag:s24] =	ssyncadd.s32 $0xFFFFD800  }
0x39: {  	s11 =	simm.s32 $0x300;
	[bflag:$0x0] =	sbarrier.arrive $0xFFFF  }
.LBB2_2:
0x3a: {  	_ =	swait.ge [sflag:s25], $0x4000  }
0x3b: {  	[sflag:s25] =	ssyncset.done $0x0  }
0x3c: {  	[sflag:s25] =	ssyncadd.s32 $0xFFFFC000  }
0x3d: {  	[spmem:s2] =	stream.indirect.scatter.add.f32 [tilespmem:s21], [sflag:$0x5], $0x80, s18, s20, $0xb8;
	[tilespmem:$0x1C400] =	vst v63  }
0x3e: {  	_ =	swait.ge [sflag:s26], $0x4000  }
0x3f: {  	[sflag:s26] =	ssyncset.done $0x0  }
0x40: {  	[sflag:s26] =	ssyncadd.s32 $0xFFFFC000  }
0x41: {  	_ =	swait.ge [sflag:s28], $0x100  }
0x42: {  	[sflag:s28] =	ssyncset.done $0x0  }
0x43: {  	[sflag:s28] =	ssyncadd.s32 $0xFFFFFF00  }
0x44: {  	_ =	swait.ge [sflag:s28], $0x100  }
0x45: {  	[sflag:s28] =	ssyncset.done $0x0  }
0x46: {  	[sflag:s28] =	ssyncadd.s32 $0xFFFFFF00  }
0x47: {  	[tilespmem:s21], [sflag:$0x3] =	stream.indirect.gather [hbm4b:s5+s20], $0x80, s23, s20, $0xb8;
	[tilespmem:$0x1C400] =	vst v63  }
0x48: {  	_ =	swait.ge [sflag:s29], $0x4000  }
0x49: {  	[sflag:s29] =	ssyncset.done $0x0  }
0x4a: {  	[sflag:s29] =	ssyncadd.s32 $0xFFFFC000  }
0x4b: {  	[spmem:s2] =	stream.indirect.scatter.add.f32 [tilespmem:s22], [sflag:$0x6], $0x80, s30, s20, $0xb8;
	[tilespmem:$0x1C400] =	vst v63  }
0x4c: {  	_ =	swait.ge [sflag:s31], $0x4000  }
0x4d: {  	p0 =	seq.s32 s11, $0x2900;
	[sflag:s31] =	ssyncset.done $0x0  }
0x4e: {  	s12 =	simm.s32 @p0 $0x3;
	[sflag:s31] =	ssyncadd.s32 $0xFFFFC000  }
0x4f: {  	[tilespmem:s22], [sflag:$0x4] =	stream.indirect.gather [hbm4b:s5+s20], $0x80, s0, s20, $0xb8;
	[tilespmem:$0x1C400] =	vst v63  }
0x50: {  	_ =	swait.ge @p0 [sflag:s12], $0x4000  }
0x51: {  	s13 =	simm.s32 @p0 $0x300;
	[sflag:s12] =	ssyncset.done @p0 $0x0  }
0x52: {  	s15 =	simm.s32 @p0 $0x400;
	[sflag:s12] =	ssyncadd.s32 @p0 $0xFFFFC000;
	s12 =	simm.s32 @p0 $0x80  }
0x53: {  	[spmem:s2] =	stream.indirect.scatter.add.f32 @p0 [tilespmem:s15], [sflag:$0x5], $0x80, s13, s12, $0xb8;
	[tilespmem:$0x1C400] =	vst v63  }
0x54: {  	s12 =	sadd.s32 @!p0 $0xFFFFFF00, s11  }
0x55: {  	s13 =	sand.u32 @!p0 $0x7C00, s12  }
0x56: {  	s15 =	simm.s32 @p0 $0x5;
	s12 =	sand.u32 @!p0 $0x200, s12;
	s13 =	sadd.s32 @!p0 s6, s13  }
0x57: {  	_ =	swait.ge @p0 [sflag:s15], $0x4000;
	s12 =	sor.u32 @!p0 s12, s13  }
0x58: {  	[sflag:s15] =	ssyncset.done @p0 $0x0;
	s12 =	sshrl.u32 @!p0 s12, $0x3  }
0x59: {  	[sflag:s15] =	ssyncadd.s32 @p0 $0xFFFFC000;
	s15 =	simm.s32 @!p0 $0x0;
	s13 =	sadd.s32 @!p0 s1, s12  }
0x5a: {  	[tilespmem:s15], [sflag:$0x1] =	stream.linear.gather @!p0 [hbm4b:s13+s15], $0x100, $0x38;
	[tilespmem:$0x1C400] =	vst v63  }
0x5b: {  	s12 =	sadd.s32 @!p0 s7, s12;
	s13 =	simm.s32 @!p0 $0x200  }
0x5c: {  	[tilespmem:s13], [sflag:$0x1] =	stream.linear.gather @!p0 [hbm4b:s12+s15], $0x100, $0x38;
	[tilespmem:$0x1C400] =	vst v63  }
0x5d: {  	s12 =	simm.s32 @!p0 $0x3  }
0x5e: {  	_ =	swait.ge @!p0 [sflag:s12], $0x4000  }
0x5f: {  	s16 =	simm.s32 @!p0 $0x400;
	[sflag:s12] =	ssyncset.done @!p0 $0x0  }
0x60: {  	s13 =	simm.s32 @!p0 $0x300;
	[sflag:s12] =	ssyncadd.s32 @!p0 $0xFFFFC000;
	s12 =	simm.s32 @!p0 $0x80  }
0x61: {  	[spmem:s2] =	stream.indirect.scatter.add.f32 @!p0 [tilespmem:s16], [sflag:$0x5], $0x80, s13, s12, $0xb8;
	[tilespmem:$0x1C400] =	vst v63  }
0x62: {  	s13 =	simm.s32 @!p0 $0x5  }
0x63: {  	_ =	swait.ge @!p0 [sflag:s13], $0x4000  }
0x64: {  	[sflag:s13] =	ssyncset.done @!p0 $0x0  }
0x65: {  	[sflag:s13] =	ssyncadd.s32 @!p0 $0xFFFFC000;
	s13 =	simm.s32 @!p0 $0x1  }
0x66: {  	_ =	swait.ge @!p0 [sflag:s13], $0x100  }
0x67: {  	[sflag:s13] =	ssyncset.done @!p0 $0x0  }
0x68: {  	[sflag:s13] =	ssyncadd.s32 @!p0 $0xFFFFFF00  }
0x69: {  	_ =	swait.ge @!p0 [sflag:s13], $0x100  }
0x6a: {  	[sflag:s13] =	ssyncset.done @!p0 $0x0  }
0x6b: {  	[sflag:s13] =	ssyncadd.s32 @!p0 $0xFFFFFF00  }
0x6c: {  	[tilespmem:s16], [sflag:$0x3] =	stream.indirect.gather @!p0 [hbm4b:s5+s12], $0x80, s15, s12, $0xb8;
	[tilespmem:$0x1C400] =	vst v63  }
0x6d: {  	_ =	swait.ge [sflag:s29], $0x4000  }
0x6e: {  	[sflag:s29] =	ssyncset.done $0x0  }
.Ltmp2:
0x6f: {  	[sflag:s29] =	ssyncadd.s32 $0xFFFFC000;
	(pc) =	sbr.rel @p0 .LBB2_4-.Ltmp2, $4  }
0x70: {  	[spmem:s2] =	stream.indirect.scatter.add.f32 [tilespmem:s22], [sflag:$0x6], $0x80, s3, s20, $0xb8;
	[tilespmem:$0x1C400] =	vst v63  }
0x71: {  	_ =	swait.ge [sflag:s31], $0x4000  }
0x72: {  	[sflag:s31] =	ssyncset.done $0x0  }
0x73: {  	[sflag:s31] =	ssyncadd.s32 $0xFFFFC000  }
0x74: {  	[tilespmem:s22], [sflag:$0x4] =	stream.indirect.gather [hbm4b:s5+s20], $0x80, s20, s20, $0xb8;
	[tilespmem:$0x1C400] =	vst v63  }
0x75: {  	s12 =	sand.u32 $0x7C00, s11  }
0x76: {  	s13 =	sand.u32 $0x300, s11;
	s12 =	sadd.s32 s6, s12  }
0x77: {  	s12 =	sor.u32 s13, s12  }
.Ltmp3:
0x78: {  	s12 =	sshrl.u32 s12, $0x3;
	(pc) =	sbr.rel .LBB2_2-.Ltmp3, $4  }
0x79: {  	s16 =	sadd.s32 s1, s12  }
0x7a: {  	[tilespmem:s23], [sflag:$0x2] =	stream.linear.gather [hbm4b:s16+s4], $0x100, $0x38;
	[tilespmem:$0x1C400] =	vst v63  }
0x7b: {  	s11 =	sadd.s32 $0x200, s11;
	s12 =	sadd.s32 s7, s12  }
0x7c: {  	[tilespmem:s9], [sflag:$0x2] =	stream.linear.gather [hbm4b:s12+s4], $0x100, $0x38;
	[tilespmem:$0x1C400] =	vst v63  }
.LBB2_5:
0x7d: {  	_ =	sfence.sel $0x180000  }
0x7e: {  	[bflag:$0x0] =	sbarrier.arrive $0xFFFF  }
0x7f: {  	_ =	strace $0x9000004A  }
0x80: {  	s0 =	stileid.u32;
	[bflag:$0x2] =	sbarrier.arrive $0xFFFF  }
0x81: {  	p0 =	sne.s32 s0, $0x0;
	s0 =	rddreg [dreg:$0x3]  }
0x82: {  	s0 =	sadd.s32 @!p0 $0x100000, s0  }
0x83: {  	[sflag:s0] =	ssyncadd.tile.s32 @!p0 $0x1;
	_ =	shalt  }
.Lfunc_end2:
_tile_overlayer_lowered:
.L_overlay_start_2:
0x84: {  	(tag) =	ssettag $0x2  }
0x85: {  	s0 =	rddreg [dreg:$0x0];
	s2 =	stileid.u32  }
0x86: {  	s1 =	rddreg [dreg:$0x1];
	p0 =	sne.s32 s2, $0x0  }
0x87: {  	s3 =	rddreg [dreg:$0x2];
	[bflag:$0x3] =	sbarrier.arrive $0xFFFF;
	s2 =	simm.s32 @!p0 $0x1C08  }
0x88: {  	[timem:s3], [sflag:s2] =	dma.local @!p0 [hbm:s0], s1  }
0x89: {  	s0 =	simm.s32 @!p0 $0x8  }
0x8a: {  	_ =	swait.ge @!p0 [sflag:s0], s1  }
0x8b: {  	s1 =	ssub.s32 @!p0 $0x0, s1;
	[sflag:s0] =	ssyncset.done @!p0 $0x0  }
0x8c: {  	[sflag:s0] =	ssyncadd.s32 @!p0 s1  }
0x8d: {  	[bflag:$0x3] =	sbarrier.arrive $0xFFFF  }
0x8e: {  	_ =	shalt  }

</sc_bundles>
